<compile_context>
chip_gen: v7x
topology: tpu7x:2x2x1
jax: 0.10.2.dev20260603
libtpu: 0.0.44.dev20260713+nightly
codegen_flags: <defaults>
</compile_context>

<pallas_src>
import functools

import jax
import jax.numpy as jnp
from jax import lax
from jax.experimental import pallas as pl
from jax.experimental.pallas import tpu as pltpu
from jax.experimental.pallas import tpu_sc as plsc

_THRESHOLD = 0.4

_INFO = plsc.get_sparse_core_info()
_NC = _INFO.num_cores
_NS = _INFO.num_subcores
_NW = _NC * _NS
_L = _INFO.num_lanes


@functools.partial(jax.jit, static_argnames=("B", "K", "H", "W"))
def _run(c_flat, hm_flat, B, K, H, W):
    groups = B // _L

    mesh = plsc.VectorSubcoreMesh(
        core_axis_name="c", subcore_axis_name="s", num_cores=1
    )

    def body(c_hbm, hm_hbm, out_hbm, c_v, idx_v, vals_v, out_v, sem):
        wid = lax.axis_index("s")

        def do_k(k):
            pltpu.sync_copy(c_hbm.at[pl.ds(k * 2 * B, 2 * B)], c_v)
            valids = []
            for g in range(groups):
                uu = c_v[pl.ds(g * _L, _L)]
                vv = c_v[pl.ds(B + g * _L, _L)]
                valid = (uu > -1) & (vv > -1) & (uu < W) & (vv < H)
                uc = jnp.clip(uu, 0, W - 1)
                vc = jnp.clip(vv, 0, H - 1)
                b = g * _L + lax.iota(jnp.int32, _L)
                idx_v[pl.ds(g * _L, _L)] = ((k * H + vc) * W + uc) * B + b
                valids.append(valid)
            pltpu.async_copy(hm_hbm.at[idx_v], vals_v, sem).wait()
            one = jnp.full((_L,), 1, jnp.int32)
            zero = jnp.full((_L,), 0, jnp.int32)
            for g in range(groups):
                vals = vals_v[pl.ds(g * _L, _L)]
                hit = (vals > _THRESHOLD) & valids[g]
                out_v[pl.ds(g * _L, _L)] = jnp.where(hit, one, zero)
            pltpu.sync_copy(out_v, out_hbm.at[pl.ds(k * B, B)])

        do_k(wid)

        @pl.when(wid < K - _NS)
        def _():
            do_k(wid + _NS)

    run = pl.kernel(
        body,
        out_type=jax.ShapeDtypeStruct((K * B,), jnp.int32),
        mesh=mesh,
        compiler_params=pltpu.CompilerParams(needs_layout_passes=False),
        scratch_types=[
            pltpu.VMEM((2 * B,), jnp.int32),
            pltpu.VMEM((B,), jnp.int32),
            pltpu.VMEM((B,), jnp.float32),
            pltpu.VMEM((B,), jnp.int32),
            pltpu.SemaphoreType.DMA,
        ],
    )
    out = run(c_flat, hm_flat)
    return (out > 0).reshape(K, B).T


def kernel(coords, heatmaps):
    B, K, H, W = heatmaps.shape
    c_flat = coords.astype(jnp.int32).transpose(1, 2, 0).reshape(-1)
    hm_flat = heatmaps.transpose(1, 2, 3, 0).reshape(-1)
    return _run(c_flat, hm_flat, B, K, H, W)

# --- scband reference (transcript-rebuilt; emitter-appended) ---
"""Pipeline reference for scband-visibility-heatmap-41841571398294 (READ-ONLY COPY).

The authoritative reference and input builder live on the scoring server;
editing this copy changes nothing except your own understanding.
"""

import jax, jax.numpy as jnp
import numpy as np

THRESHOLD = 0.4


def setup_inputs(seed: int = 0) -> dict:
    key = jax.random.key(seed)
    k1, k2 = jax.random.split(key)
    coords = jax.random.randint(k1, (128, 17, 2), 0, 96)  # int indices, UV order
    heatmaps = jax.random.uniform(k2, (128, 17, 96, 96), dtype=jnp.float32)
    return {"coords": coords, "heatmaps": heatmaps}


def reference(coords, heatmaps):
    # coords is [B, K, 2] in UV order; torch code does coords.flip(-1) -> VU,
    # so uv[0] = v (row, compared to H) and uv[1] = u (col, compared to W).
    B, K, H, W = heatmaps.shape
    c = coords.astype(jnp.int32)
    v = c[..., 1]
    u = c[..., 0]
    valid = (v > -1) & (u > -1) & (v < H) & (u < W)
    vc = jnp.clip(v, 0, H - 1)
    uc = jnp.clip(u, 0, W - 1)
    bidx = jnp.arange(B)[:, None]
    kidx = jnp.arange(K)[None, :]
    vals = heatmaps[bidx, kidx, vc, uc]  # gather one pixel per (b, k)
    masks = valid & (vals > THRESHOLD)
    return masks

if __name__ == "__main__":
    import jax
    _d = setup_inputs()
    print(jax.jit(kernel)(*tuple(_d.values())))

</pallas_src>

<mosaic_0001>
#map = affine_map<(d0, d1) -> (0)>
module attributes {stable_mosaic.version = 14 : i64} {
  func.func @body(%arg0: i32, %arg1: i32, %arg2: memref<4352xi32, #tpu.memory_space<hbm>>, %arg3: memref<20054016xf32, #tpu.memory_space<hbm>>, %arg4: memref<2176xi32, #tpu.memory_space<hbm>>, %arg5: memref<256xi32, #tpu.memory_space<vmem>>, %arg6: memref<128xi32, #tpu.memory_space<vmem>>, %arg7: memref<128xf32, #tpu.memory_space<vmem>>, %arg8: memref<128xi32, #tpu.memory_space<vmem>>, %arg9: memref<!tpu.dma_semaphore, #tpu.memory_space<semaphore_mem>>) attributes {dimension_semantics = [#tpu.dimension_semantics<core_parallel>, #tpu.dimension_semantics<subcore_parallel>], iteration_bounds = array<i64: 1, 16>, scalar_prefetch = 0 : i64, scratch_operands = 5 : i64, tpu.core_type = #tpu.core_type<sc_vector_subcore>, window_params = [{transform_indices = #map}, {transform_indices = #map}, {transform_indices = #map}]} {
    %mul3A = arith.constant 2 : i32
    %mul3A_0 = arith.muli %arg1, %mul3A : i32
    %mul3A_1 = arith.constant 128 : i32
    %mul3A_2 = arith.muli %mul3A_0, %mul3A_1 : i32
    "tpu.region"() ({
      %run_scoped3A = tpu.sem_alloc : memref<!tpu.dma_semaphore, #tpu.memory_space<semaphore_mem>>
      %dma_start3A_466 = tpu.memref_slice %arg2[%mul3A_2] : memref<4352xi32, #tpu.memory_space<hbm>> -> memref<256xi32, #tpu.memory_space<hbm>>
      %dma_start3A_467 = tpu.memref_slice %arg2[%mul3A_2] : memref<4352xi32, #tpu.memory_space<hbm>> -> memref<256xi32, #tpu.memory_space<hbm>>
      tpu.enqueue_dma source(%dma_start3A_467 : memref<256xi32, #tpu.memory_space<hbm>>) target(%arg5 : memref<256xi32, #tpu.memory_space<vmem>>) target_semaphore(%run_scoped3A : memref<!tpu.dma_semaphore, #tpu.memory_space<semaphore_mem>>)
      %dma_wait3A_468 = tpu.memref_slice %arg2[%mul3A_2] : memref<4352xi32, #tpu.memory_space<hbm>> -> memref<256xi32, #tpu.memory_space<hbm>>
      %dma_wait3A_469 = tpu.memref_slice %arg2[%mul3A_2] : memref<4352xi32, #tpu.memory_space<hbm>> -> memref<256xi32, #tpu.memory_space<hbm>>
      tpu.wait_dma2 semaphore(%run_scoped3A : memref<!tpu.dma_semaphore, #tpu.memory_space<semaphore_mem>>) src(%dma_wait3A_469 : memref<256xi32, #tpu.memory_space<hbm>>) dst(%arg5 : memref<256xi32, #tpu.memory_space<vmem>>)
      tpu.yield
    }) : () -> ()
    %get3A = arith.constant 0 : index
    %get3A_3 = tpu.vector_load %arg5[%get3A] {strides = array<i32>} : memref<256xi32, #tpu.memory_space<vmem>>, vector<16xi32>,
    %get3A_4 = arith.constant 128 : index
    %get3A_5 = tpu.vector_load %arg5[%get3A_4] {strides = array<i32>} : memref<256xi32, #tpu.memory_space<vmem>>, vector<16xi32>,
    %gt3A = arith.constant -1 : i32
    %gt3A_6 = vector.broadcast %gt3A : i32 to vector<16xi32>
    %gt3A_7 = arith.cmpi sgt, %get3A_3, %gt3A_6 : vector<16xi32>
    %gt3A_8 = arith.constant -1 : i32
    %gt3A_9 = vector.broadcast %gt3A_8 : i32 to vector<16xi32>
    %gt3A_10 = arith.cmpi sgt, %get3A_5, %gt3A_9 : vector<16xi32>
    %and3A = arith.andi %gt3A_7, %gt3A_10 : vector<16xi1>
    %lt3A = arith.constant 96 : i32
    %lt3A_11 = vector.broadcast %lt3A : i32 to vector<16xi32>
    %lt3A_12 = arith.cmpi slt, %get3A_3, %lt3A_11 : vector<16xi32>
    %and3A_13 = arith.andi %and3A, %lt3A_12 : vector<16xi1>
    %lt3A_14 = arith.constant 96 : i32
    %lt3A_15 = vector.broadcast %lt3A_14 : i32 to vector<16xi32>
    %lt3A_16 = arith.cmpi slt, %get3A_5, %lt3A_15 : vector<16xi32>
    %and3A_17 = arith.andi %and3A_13, %lt3A_16 : vector<16xi1>
    %jit3A = arith.constant 0 : i32
    %jit3A_18 = arith.constant 95 : i32
    %max3A = vector.broadcast %jit3A : i32 to vector<16xi32>
    %max3A_19 = arith.maxsi %max3A, %get3A_3 : vector<16xi32>
    %min3A = vector.broadcast %jit3A_18 : i32 to vector<16xi32>
    %min3A_20 = arith.minsi %min3A, %max3A_19 : vector<16xi32>
    %jit3A_21 = arith.constant 0 : i32
    %jit3A_22 = arith.constant 95 : i32
    %max3A_23 = vector.broadcast %jit3A_21 : i32 to vector<16xi32>
    %max3A_24 = arith.maxsi %max3A_23, %get3A_5 : vector<16xi32>
    %min3A_25 = vector.broadcast %jit3A_22 : i32 to vector<16xi32>
    %min3A_26 = arith.minsi %min3A_25, %max3A_24 : vector<16xi32>
    %iota3A = tpu.iota {dimensions = array<i32: 0>} : vector<16xi32>
    %add3A = arith.constant 0 : i32
    %add3A_27 = vector.broadcast %add3A : i32 to vector<16xi32>
    %add3A_28 = arith.addi %add3A_27, %iota3A : vector<16xi32>
    %mul3A_29 = arith.constant 96 : i32
    %mul3A_30 = arith.muli %arg1, %mul3A_29 : i32
    %add3A_31 = vector.broadcast %mul3A_30 : i32 to vector<16xi32>
    %add3A_32 = arith.addi %add3A_31, %min3A_26 : vector<16xi32>
    %mul3A_33 = arith.constant 96 : i32
    %mul3A_34 = vector.broadcast %mul3A_33 : i32 to vector<16xi32>
    %mul3A_35 = arith.muli %add3A_32, %mul3A_34 : vector<16xi32>
    %add3A_36 = arith.addi %mul3A_35, %min3A_20 : vector<16xi32>
    %mul3A_37 = arith.constant 128 : i32
    %mul3A_38 = vector.broadcast %mul3A_37 : i32 to vector<16xi32>
    %mul3A_39 = arith.muli %add3A_36, %mul3A_38 : vector<16xi32>
    %add3A_40 = arith.addi %mul3A_39, %add3A_28 : vector<16xi32>
    %swap3A = arith.constant 0 : index
    %swap3A_41 = tpu.vector_load %arg6[%swap3A] {strides = array<i32>} : memref<128xi32, #tpu.memory_space<vmem>>, vector<16xi32>,
    tpu.vector_store %arg6[%swap3A], %add3A_40 {strides = array<i32>} : memref<128xi32, #tpu.memory_space<vmem>>, vector<16xi32>,
    %get3A_42 = arith.constant 16 : index
    %get3A_43 = tpu.vector_load %arg5[%get3A_42] {strides = array<i32>} : memref<256xi32, #tpu.memory_space<vmem>>, vector<16xi32>,
    %get3A_44 = arith.constant 144 : index
    %get3A_45 = tpu.vector_load %arg5[%get3A_44] {strides = array<i32>} : memref<256xi32, #tpu.memory_space<vmem>>, vector<16xi32>,
    %gt3A_46 = arith.constant -1 : i32
    %gt3A_47 = vector.broadcast %gt3A_46 : i32 to vector<16xi32>
    %gt3A_48 = arith.cmpi sgt, %get3A_43, %gt3A_47 : vector<16xi32>
    %gt3A_49 = arith.constant -1 : i32
    %gt3A_50 = vector.broadcast %gt3A_49 : i32 to vector<16xi32>
    %gt3A_51 = arith.cmpi sgt, %get3A_45, %gt3A_50 : vector<16xi32>
    %and3A_52 = arith.andi %gt3A_48, %gt3A_51 : vector<16xi1>
    %lt3A_53 = arith.constant 96 : i32
    %lt3A_54 = vector.broadcast %lt3A_53 : i32 to vector<16xi32>
    %lt3A_55 = arith.cmpi slt, %get3A_43, %lt3A_54 : vector<16xi32>
    %and3A_56 = arith.andi %and3A_52, %lt3A_55 : vector<16xi1>
    %lt3A_57 = arith.constant 96 : i32
    %lt3A_58 = vector.broadcast %lt3A_57 : i32 to vector<16xi32>
    %lt3A_59 = arith.cmpi slt, %get3A_45, %lt3A_58 : vector<16xi32>
    %and3A_60 = arith.andi %and3A_56, %lt3A_59 : vector<16xi1>
    %jit3A_61 = arith.constant 0 : i32
    %jit3A_62 = arith.constant 95 : i32
    %max3A_63 = vector.broadcast %jit3A_61 : i32 to vector<16xi32>
    %max3A_64 = arith.maxsi %max3A_63, %get3A_43 : vector<16xi32>
    %min3A_65 = vector.broadcast %jit3A_62 : i32 to vector<16xi32>
    %min3A_66 = arith.minsi %min3A_65, %max3A_64 : vector<16xi32>
    %jit3A_67 = arith.constant 0 : i32
    %jit3A_68 = arith.constant 95 : i32
    %max3A_69 = vector.broadcast %jit3A_67 : i32 to vector<16xi32>
    %max3A_70 = arith.maxsi %max3A_69, %get3A_45 : vector<16xi32>
    %min3A_71 = vector.broadcast %jit3A_68 : i32 to vector<16xi32>
    %min3A_72 = arith.minsi %min3A_71, %max3A_70 : vector<16xi32>
    %iota3A_73 = tpu.iota {dimensions = array<i32: 0>} : vector<16xi32>
    %add3A_74 = arith.constant 16 : i32
    %add3A_75 = vector.broadcast %add3A_74 : i32 to vector<16xi32>
    %add3A_76 = arith.addi %add3A_75, %iota3A_73 : vector<16xi32>
    %mul3A_77 = arith.constant 96 : i32
    %mul3A_78 = arith.muli %arg1, %mul3A_77 : i32
    %add3A_79 = vector.broadcast %mul3A_78 : i32 to vector<16xi32>
    %add3A_80 = arith.addi %add3A_79, %min3A_72 : vector<16xi32>
    %mul3A_81 = arith.constant 96 : i32
    %mul3A_82 = vector.broadcast %mul3A_81 : i32 to vector<16xi32>
    %mul3A_83 = arith.muli %add3A_80, %mul3A_82 : vector<16xi32>
    %add3A_84 = arith.addi %mul3A_83, %min3A_66 : vector<16xi32>
    %mul3A_85 = arith.constant 128 : i32
    %mul3A_86 = vector.broadcast %mul3A_85 : i32 to vector<16xi32>
    %mul3A_87 = arith.muli %add3A_84, %mul3A_86 : vector<16xi32>
    %add3A_88 = arith.addi %mul3A_87, %add3A_76 : vector<16xi32>
    %swap3A_89 = arith.constant 16 : index
    %swap3A_90 = tpu.vector_load %arg6[%swap3A_89] {strides = array<i32>} : memref<128xi32, #tpu.memory_space<vmem>>, vector<16xi32>,
    tpu.vector_store %arg6[%swap3A_89], %add3A_88 {strides = array<i32>} : memref<128xi32, #tpu.memory_space<vmem>>, vector<16xi32>,
    %get3A_91 = arith.constant 32 : index
    %get3A_92 = tpu.vector_load %arg5[%get3A_91] {strides = array<i32>} : memref<256xi32, #tpu.memory_space<vmem>>, vector<16xi32>,
    %get3A_93 = arith.constant 160 : index
    %get3A_94 = tpu.vector_load %arg5[%get3A_93] {strides = array<i32>} : memref<256xi32, #tpu.memory_space<vmem>>, vector<16xi32>,
    %gt3A_95 = arith.constant -1 : i32
    %gt3A_96 = vector.broadcast %gt3A_95 : i32 to vector<16xi32>
    %gt3A_97 = arith.cmpi sgt, %get3A_92, %gt3A_96 : vector<16xi32>
    %gt3A_98 = arith.constant -1 : i32
    %gt3A_99 = vector.broadcast %gt3A_98 : i32 to vector<16xi32>
    %gt3A_100 = arith.cmpi sgt, %get3A_94, %gt3A_99 : vector<16xi32>
    %and3A_101 = arith.andi %gt3A_97, %gt3A_100 : vector<16xi1>
    %lt3A_102 = arith.constant 96 : i32
    %lt3A_103 = vector.broadcast %lt3A_102 : i32 to vector<16xi32>
    %lt3A_104 = arith.cmpi slt, %get3A_92, %lt3A_103 : vector<16xi32>
    %and3A_105 = arith.andi %and3A_101, %lt3A_104 : vector<16xi1>
    %lt3A_106 = arith.constant 96 : i32
    %lt3A_107 = vector.broadcast %lt3A_106 : i32 to vector<16xi32>
    %lt3A_108 = arith.cmpi slt, %get3A_94, %lt3A_107 : vector<16xi32>
    %and3A_109 = arith.andi %and3A_105, %lt3A_108 : vector<16xi1>
    %jit3A_110 = arith.constant 0 : i32
    %jit3A_111 = arith.constant 95 : i32
    %max3A_112 = vector.broadcast %jit3A_110 : i32 to vector<16xi32>
    %max3A_113 = arith.maxsi %max3A_112, %get3A_92 : vector<16xi32>
    %min3A_114 = vector.broadcast %jit3A_111 : i32 to vector<16xi32>
    %min3A_115 = arith.minsi %min3A_114, %max3A_113 : vector<16xi32>
    %jit3A_116 = arith.constant 0 : i32
    %jit3A_117 = arith.constant 95 : i32
    %max3A_118 = vector.broadcast %jit3A_116 : i32 to vector<16xi32>
    %max3A_119 = arith.maxsi %max3A_118, %get3A_94 : vector<16xi32>
    %min3A_120 = vector.broadcast %jit3A_117 : i32 to vector<16xi32>
    %min3A_121 = arith.minsi %min3A_120, %max3A_119 : vector<16xi32>
    %iota3A_122 = tpu.iota {dimensions = array<i32: 0>} : vector<16xi32>
    %add3A_123 = arith.constant 32 : i32
    %add3A_124 = vector.broadcast %add3A_123 : i32 to vector<16xi32>
    %add3A_125 = arith.addi %add3A_124, %iota3A_122 : vector<16xi32>
    %mul3A_126 = arith.constant 96 : i32
    %mul3A_127 = arith.muli %arg1, %mul3A_126 : i32
    %add3A_128 = vector.broadcast %mul3A_127 : i32 to vector<16xi32>
    %add3A_129 = arith.addi %add3A_128, %min3A_121 : vector<16xi32>
    %mul3A_130 = arith.constant 96 : i32
    %mul3A_131 = vector.broadcast %mul3A_130 : i32 to vector<16xi32>
    %mul3A_132 = arith.muli %add3A_129, %mul3A_131 : vector<16xi32>
    %add3A_133 = arith.addi %mul3A_132, %min3A_115 : vector<16xi32>
    %mul3A_134 = arith.constant 128 : i32
    %mul3A_135 = vector.broadcast %mul3A_134 : i32 to vector<16xi32>
    %mul3A_136 = arith.muli %add3A_133, %mul3A_135 : vector<16xi32>
    %add3A_137 = arith.addi %mul3A_136, %add3A_125 : vector<16xi32>
    %swap3A_138 = arith.constant 32 : index
    %swap3A_139 = tpu.vector_load %arg6[%swap3A_138] {strides = array<i32>} : memref<128xi32, #tpu.memory_space<vmem>>, vector<16xi32>,
    tpu.vector_store %arg6[%swap3A_138], %add3A_137 {strides = array<i32>} : memref<128xi32, #tpu.memory_space<vmem>>, vector<16xi32>,
    %get3A_140 = arith.constant 48 : index
    %get3A_141 = tpu.vector_load %arg5[%get3A_140] {strides = array<i32>} : memref<256xi32, #tpu.memory_space<vmem>>, vector<16xi32>,
    %get3A_142 = arith.constant 176 : index
    %get3A_143 = tpu.vector_load %arg5[%get3A_142] {strides = array<i32>} : memref<256xi32, #tpu.memory_space<vmem>>, vector<16xi32>,
    %gt3A_144 = arith.constant -1 : i32
    %gt3A_145 = vector.broadcast %gt3A_144 : i32 to vector<16xi32>
    %gt3A_146 = arith.cmpi sgt, %get3A_141, %gt3A_145 : vector<16xi32>
    %gt3A_147 = arith.constant -1 : i32
    %gt3A_148 = vector.broadcast %gt3A_147 : i32 to vector<16xi32>
    %gt3A_149 = arith.cmpi sgt, %get3A_143, %gt3A_148 : vector<16xi32>
    %and3A_150 = arith.andi %gt3A_146, %gt3A_149 : vector<16xi1>
    %lt3A_151 = arith.constant 96 : i32
    %lt3A_152 = vector.broadcast %lt3A_151 : i32 to vector<16xi32>
    %lt3A_153 = arith.cmpi slt, %get3A_141, %lt3A_152 : vector<16xi32>
    %and3A_154 = arith.andi %and3A_150, %lt3A_153 : vector<16xi1>
    %lt3A_155 = arith.constant 96 : i32
    %lt3A_156 = vector.broadcast %lt3A_155 : i32 to vector<16xi32>
    %lt3A_157 = arith.cmpi slt, %get3A_143, %lt3A_156 : vector<16xi32>
    %and3A_158 = arith.andi %and3A_154, %lt3A_157 : vector<16xi1>
    %jit3A_159 = arith.constant 0 : i32
    %jit3A_160 = arith.constant 95 : i32
    %max3A_161 = vector.broadcast %jit3A_159 : i32 to vector<16xi32>
    %max3A_162 = arith.maxsi %max3A_161, %get3A_141 : vector<16xi32>
    %min3A_163 = vector.broadcast %jit3A_160 : i32 to vector<16xi32>
    %min3A_164 = arith.minsi %min3A_163, %max3A_162 : vector<16xi32>
    %jit3A_165 = arith.constant 0 : i32
    %jit3A_166 = arith.constant 95 : i32
    %max3A_167 = vector.broadcast %jit3A_165 : i32 to vector<16xi32>
    %max3A_168 = arith.maxsi %max3A_167, %get3A_143 : vector<16xi32>
    %min3A_169 = vector.broadcast %jit3A_166 : i32 to vector<16xi32>
    %min3A_170 = arith.minsi %min3A_169, %max3A_168 : vector<16xi32>
    %iota3A_171 = tpu.iota {dimensions = array<i32: 0>} : vector<16xi32>
    %add3A_172 = arith.constant 48 : i32
    %add3A_173 = vector.broadcast %add3A_172 : i32 to vector<16xi32>
    %add3A_174 = arith.addi %add3A_173, %iota3A_171 : vector<16xi32>
    %mul3A_175 = arith.constant 96 : i32
    %mul3A_176 = arith.muli %arg1, %mul3A_175 : i32
    %add3A_177 = vector.broadcast %mul3A_176 : i32 to vector<16xi32>
    %add3A_178 = arith.addi %add3A_177, %min3A_170 : vector<16xi32>
    %mul3A_179 = arith.constant 96 : i32
    %mul3A_180 = vector.broadcast %mul3A_179 : i32 to vector<16xi32>
    %mul3A_181 = arith.muli %add3A_178, %mul3A_180 : vector<16xi32>
    %add3A_182 = arith.addi %mul3A_181, %min3A_164 : vector<16xi32>
    %mul3A_183 = arith.constant 128 : i32
    %mul3A_184 = vector.broadcast %mul3A_183 : i32 to vector<16xi32>
    %mul3A_185 = arith.muli %add3A_182, %mul3A_184 : vector<16xi32>
    %add3A_186 = arith.addi %mul3A_185, %add3A_174 : vector<16xi32>
    %swap3A_187 = arith.constant 48 : index
    %swap3A_188 = tpu.vector_load %arg6[%swap3A_187] {strides = array<i32>} : memref<128xi32, #tpu.memory_space<vmem>>, vector<16xi32>,
    tpu.vector_store %arg6[%swap3A_187], %add3A_186 {strides = array<i32>} : memref<128xi32, #tpu.memory_space<vmem>>, vector<16xi32>,
    %get3A_189 = arith.constant 64 : index
    %get3A_190 = tpu.vector_load %arg5[%get3A_189] {strides = array<i32>} : memref<256xi32, #tpu.memory_space<vmem>>, vector<16xi32>,
    %get3A_191 = arith.constant 192 : index
    %get3A_192 = tpu.vector_load %arg5[%get3A_191] {strides = array<i32>} : memref<256xi32, #tpu.memory_space<vmem>>, vector<16xi32>,
    %gt3A_193 = arith.constant -1 : i32
    %gt3A_194 = vector.broadcast %gt3A_193 : i32 to vector<16xi32>
    %gt3A_195 = arith.cmpi sgt, %get3A_190, %gt3A_194 : vector<16xi32>
    %gt3A_196 = arith.constant -1 : i32
    %gt3A_197 = vector.broadcast %gt3A_196 : i32 to vector<16xi32>
    %gt3A_198 = arith.cmpi sgt, %get3A_192, %gt3A_197 : vector<16xi32>
    %and3A_199 = arith.andi %gt3A_195, %gt3A_198 : vector<16xi1>
    %lt3A_200 = arith.constant 96 : i32
    %lt3A_201 = vector.broadcast %lt3A_200 : i32 to vector<16xi32>
    %lt3A_202 = arith.cmpi slt, %get3A_190, %lt3A_201 : vector<16xi32>
    %and3A_203 = arith.andi %and3A_199, %lt3A_202 : vector<16xi1>
    %lt3A_204 = arith.constant 96 : i32
    %lt3A_205 = vector.broadcast %lt3A_204 : i32 to vector<16xi32>
    %lt3A_206 = arith.cmpi slt, %get3A_192, %lt3A_205 : vector<16xi32>
    %and3A_207 = arith.andi %and3A_203, %lt3A_206 : vector<16xi1>
    %jit3A_208 = arith.constant 0 : i32
    %jit3A_209 = arith.constant 95 : i32
    %max3A_210 = vector.broadcast %jit3A_208 : i32 to vector<16xi32>
    %max3A_211 = arith.maxsi %max3A_210, %get3A_190 : vector<16xi32>
    %min3A_212 = vector.broadcast %jit3A_209 : i32 to vector<16xi32>
    %min3A_213 = arith.minsi %min3A_212, %max3A_211 : vector<16xi32>
    %jit3A_214 = arith.constant 0 : i32
    %jit3A_215 = arith.constant 95 : i32
    %max3A_216 = vector.broadcast %jit3A_214 : i32 to vector<16xi32>
    %max3A_217 = arith.maxsi %max3A_216, %get3A_192 : vector<16xi32>
    %min3A_218 = vector.broadcast %jit3A_215 : i32 to vector<16xi32>
    %min3A_219 = arith.minsi %min3A_218, %max3A_217 : vector<16xi32>
    %iota3A_220 = tpu.iota {dimensions = array<i32: 0>} : vector<16xi32>
    %add3A_221 = arith.constant 64 : i32
    %add3A_222 = vector.broadcast %add3A_221 : i32 to vector<16xi32>
    %add3A_223 = arith.addi %add3A_222, %iota3A_220 : vector<16xi32>
    %mul3A_224 = arith.constant 96 : i32
    %mul3A_225 = arith.muli %arg1, %mul3A_224 : i32
    %add3A_226 = vector.broadcast %mul3A_225 : i32 to vector<16xi32>
    %add3A_227 = arith.addi %add3A_226, %min3A_219 : vector<16xi32>
    %mul3A_228 = arith.constant 96 : i32
    %mul3A_229 = vector.broadcast %mul3A_228 : i32 to vector<16xi32>
    %mul3A_230 = arith.muli %add3A_227, %mul3A_229 : vector<16xi32>
    %add3A_231 = arith.addi %mul3A_230, %min3A_213 : vector<16xi32>
    %mul3A_232 = arith.constant 128 : i32
    %mul3A_233 = vector.broadcast %mul3A_232 : i32 to vector<16xi32>
    %mul3A_234 = arith.muli %add3A_231, %mul3A_233 : vector<16xi32>
    %add3A_235 = arith.addi %mul3A_234, %add3A_223 : vector<16xi32>
    %swap3A_236 = arith.constant 64 : index
    %swap3A_237 = tpu.vector_load %arg6[%swap3A_236] {strides = array<i32>} : memref<128xi32, #tpu.memory_space<vmem>>, vector<16xi32>,
    tpu.vector_store %arg6[%swap3A_236], %add3A_235 {strides = array<i32>} : memref<128xi32, #tpu.memory_space<vmem>>, vector<16xi32>,
    %get3A_238 = arith.constant 80 : index
    %get3A_239 = tpu.vector_load %arg5[%get3A_238] {strides = array<i32>} : memref<256xi32, #tpu.memory_space<vmem>>, vector<16xi32>,
    %get3A_240 = arith.constant 208 : index
    %get3A_241 = tpu.vector_load %arg5[%get3A_240] {strides = array<i32>} : memref<256xi32, #tpu.memory_space<vmem>>, vector<16xi32>,
    %gt3A_242 = arith.constant -1 : i32
    %gt3A_243 = vector.broadcast %gt3A_242 : i32 to vector<16xi32>
    %gt3A_244 = arith.cmpi sgt, %get3A_239, %gt3A_243 : vector<16xi32>
    %gt3A_245 = arith.constant -1 : i32
    %gt3A_246 = vector.broadcast %gt3A_245 : i32 to vector<16xi32>
    %gt3A_247 = arith.cmpi sgt, %get3A_241, %gt3A_246 : vector<16xi32>
    %and3A_248 = arith.andi %gt3A_244, %gt3A_247 : vector<16xi1>
    %lt3A_249 = arith.constant 96 : i32
    %lt3A_250 = vector.broadcast %lt3A_249 : i32 to vector<16xi32>
    %lt3A_251 = arith.cmpi slt, %get3A_239, %lt3A_250 : vector<16xi32>
    %and3A_252 = arith.andi %and3A_248, %lt3A_251 : vector<16xi1>
    %lt3A_253 = arith.constant 96 : i32
    %lt3A_254 = vector.broadcast %lt3A_253 : i32 to vector<16xi32>
    %lt3A_255 = arith.cmpi slt, %get3A_241, %lt3A_254 : vector<16xi32>
    %and3A_256 = arith.andi %and3A_252, %lt3A_255 : vector<16xi1>
    %jit3A_257 = arith.constant 0 : i32
    %jit3A_258 = arith.constant 95 : i32
    %max3A_259 = vector.broadcast %jit3A_257 : i32 to vector<16xi32>
    %max3A_260 = arith.maxsi %max3A_259, %get3A_239 : vector<16xi32>
    %min3A_261 = vector.broadcast %jit3A_258 : i32 to vector<16xi32>
    %min3A_262 = arith.minsi %min3A_261, %max3A_260 : vector<16xi32>
    %jit3A_263 = arith.constant 0 : i32
    %jit3A_264 = arith.constant 95 : i32
    %max3A_265 = vector.broadcast %jit3A_263 : i32 to vector<16xi32>
    %max3A_266 = arith.maxsi %max3A_265, %get3A_241 : vector<16xi32>
    %min3A_267 = vector.broadcast %jit3A_264 : i32 to vector<16xi32>
    %min3A_268 = arith.minsi %min3A_267, %max3A_266 : vector<16xi32>
    %iota3A_269 = tpu.iota {dimensions = array<i32: 0>} : vector<16xi32>
    %add3A_270 = arith.constant 80 : i32
    %add3A_271 = vector.broadcast %add3A_270 : i32 to vector<16xi32>
    %add3A_272 = arith.addi %add3A_271, %iota3A_269 : vector<16xi32>
    %mul3A_273 = arith.constant 96 : i32
    %mul3A_274 = arith.muli %arg1, %mul3A_273 : i32
    %add3A_275 = vector.broadcast %mul3A_274 : i32 to vector<16xi32>
    %add3A_276 = arith.addi %add3A_275, %min3A_268 : vector<16xi32>
    %mul3A_277 = arith.constant 96 : i32
    %mul3A_278 = vector.broadcast %mul3A_277 : i32 to vector<16xi32>
    %mul3A_279 = arith.muli %add3A_276, %mul3A_278 : vector<16xi32>
    %add3A_280 = arith.addi %mul3A_279, %min3A_262 : vector<16xi32>
    %mul3A_281 = arith.constant 128 : i32
    %mul3A_282 = vector.broadcast %mul3A_281 : i32 to vector<16xi32>
    %mul3A_283 = arith.muli %add3A_280, %mul3A_282 : vector<16xi32>
    %add3A_284 = arith.addi %mul3A_283, %add3A_272 : vector<16xi32>
    %swap3A_285 = arith.constant 80 : index
    %swap3A_286 = tpu.vector_load %arg6[%swap3A_285] {strides = array<i32>} : memref<128xi32, #tpu.memory_space<vmem>>, vector<16xi32>,
    tpu.vector_store %arg6[%swap3A_285], %add3A_284 {strides = array<i32>} : memref<128xi32, #tpu.memory_space<vmem>>, vector<16xi32>,
    %get3A_287 = arith.constant 96 : index
    %get3A_288 = tpu.vector_load %arg5[%get3A_287] {strides = array<i32>} : memref<256xi32, #tpu.memory_space<vmem>>, vector<16xi32>,
    %get3A_289 = arith.constant 224 : index
    %get3A_290 = tpu.vector_load %arg5[%get3A_289] {strides = array<i32>} : memref<256xi32, #tpu.memory_space<vmem>>, vector<16xi32>,
    %gt3A_291 = arith.constant -1 : i32
    %gt3A_292 = vector.broadcast %gt3A_291 : i32 to vector<16xi32>
    %gt3A_293 = arith.cmpi sgt, %get3A_288, %gt3A_292 : vector<16xi32>
    %gt3A_294 = arith.constant -1 : i32
    %gt3A_295 = vector.broadcast %gt3A_294 : i32 to vector<16xi32>
    %gt3A_296 = arith.cmpi sgt, %get3A_290, %gt3A_295 : vector<16xi32>
    %and3A_297 = arith.andi %gt3A_293, %gt3A_296 : vector<16xi1>
    %lt3A_298 = arith.constant 96 : i32
    %lt3A_299 = vector.broadcast %lt3A_298 : i32 to vector<16xi32>
    %lt3A_300 = arith.cmpi slt, %get3A_288, %lt3A_299 : vector<16xi32>
    %and3A_301 = arith.andi %and3A_297, %lt3A_300 : vector<16xi1>
    %lt3A_302 = arith.constant 96 : i32
    %lt3A_303 = vector.broadcast %lt3A_302 : i32 to vector<16xi32>
    %lt3A_304 = arith.cmpi slt, %get3A_290, %lt3A_303 : vector<16xi32>
    %and3A_305 = arith.andi %and3A_301, %lt3A_304 : vector<16xi1>
    %jit3A_306 = arith.constant 0 : i32
    %jit3A_307 = arith.constant 95 : i32
    %max3A_308 = vector.broadcast %jit3A_306 : i32 to vector<16xi32>
    %max3A_309 = arith.maxsi %max3A_308, %get3A_288 : vector<16xi32>
    %min3A_310 = vector.broadcast %jit3A_307 : i32 to vector<16xi32>
    %min3A_311 = arith.minsi %min3A_310, %max3A_309 : vector<16xi32>
    %jit3A_312 = arith.constant 0 : i32
    %jit3A_313 = arith.constant 95 : i32
    %max3A_314 = vector.broadcast %jit3A_312 : i32 to vector<16xi32>
    %max3A_315 = arith.maxsi %max3A_314, %get3A_290 : vector<16xi32>
    %min3A_316 = vector.broadcast %jit3A_313 : i32 to vector<16xi32>
    %min3A_317 = arith.minsi %min3A_316, %max3A_315 : vector<16xi32>
    %iota3A_318 = tpu.iota {dimensions = array<i32: 0>} : vector<16xi32>
    %add3A_319 = arith.constant 96 : i32
    %add3A_320 = vector.broadcast %add3A_319 : i32 to vector<16xi32>
    %add3A_321 = arith.addi %add3A_320, %iota3A_318 : vector<16xi32>
    %mul3A_322 = arith.constant 96 : i32
    %mul3A_323 = arith.muli %arg1, %mul3A_322 : i32
    %add3A_324 = vector.broadcast %mul3A_323 : i32 to vector<16xi32>
    %add3A_325 = arith.addi %add3A_324, %min3A_317 : vector<16xi32>
    %mul3A_326 = arith.constant 96 : i32
    %mul3A_327 = vector.broadcast %mul3A_326 : i32 to vector<16xi32>
    %mul3A_328 = arith.muli %add3A_325, %mul3A_327 : vector<16xi32>
    %add3A_329 = arith.addi %mul3A_328, %min3A_311 : vector<16xi32>
    %mul3A_330 = arith.constant 128 : i32
    %mul3A_331 = vector.broadcast %mul3A_330 : i32 to vector<16xi32>
    %mul3A_332 = arith.muli %add3A_329, %mul3A_331 : vector<16xi32>
    %add3A_333 = arith.addi %mul3A_332, %add3A_321 : vector<16xi32>
    %swap3A_334 = arith.constant 96 : index
    %swap3A_335 = tpu.vector_load %arg6[%swap3A_334] {strides = array<i32>} : memref<128xi32, #tpu.memory_space<vmem>>, vector<16xi32>,
    tpu.vector_store %arg6[%swap3A_334], %add3A_333 {strides = array<i32>} : memref<128xi32, #tpu.memory_space<vmem>>, vector<16xi32>,
    %get3A_336 = arith.constant 112 : index
    %get3A_337 = tpu.vector_load %arg5[%get3A_336] {strides = array<i32>} : memref<256xi32, #tpu.memory_space<vmem>>, vector<16xi32>,
    %get3A_338 = arith.constant 240 : index
    %get3A_339 = tpu.vector_load %arg5[%get3A_338] {strides = array<i32>} : memref<256xi32, #tpu.memory_space<vmem>>, vector<16xi32>,
    %gt3A_340 = arith.constant -1 : i32
    %gt3A_341 = vector.broadcast %gt3A_340 : i32 to vector<16xi32>
    %gt3A_342 = arith.cmpi sgt, %get3A_337, %gt3A_341 : vector<16xi32>
    %gt3A_343 = arith.constant -1 : i32
    %gt3A_344 = vector.broadcast %gt3A_343 : i32 to vector<16xi32>
    %gt3A_345 = arith.cmpi sgt, %get3A_339, %gt3A_344 : vector<16xi32>
    %and3A_346 = arith.andi %gt3A_342, %gt3A_345 : vector<16xi1>
    %lt3A_347 = arith.constant 96 : i32
    %lt3A_348 = vector.broadcast %lt3A_347 : i32 to vector<16xi32>
    %lt3A_349 = arith.cmpi slt, %get3A_337, %lt3A_348 : vector<16xi32>
    %and3A_350 = arith.andi %and3A_346, %lt3A_349 : vector<16xi1>
    %lt3A_351 = arith.constant 96 : i32
    %lt3A_352 = vector.broadcast %lt3A_351 : i32 to vector<16xi32>
    %lt3A_353 = arith.cmpi slt, %get3A_339, %lt3A_352 : vector<16xi32>
    %and3A_354 = arith.andi %and3A_350, %lt3A_353 : vector<16xi1>
    %jit3A_355 = arith.constant 0 : i32
    %jit3A_356 = arith.constant 95 : i32
    %max3A_357 = vector.broadcast %jit3A_355 : i32 to vector<16xi32>
    %max3A_358 = arith.maxsi %max3A_357, %get3A_337 : vector<16xi32>
    %min3A_359 = vector.broadcast %jit3A_356 : i32 to vector<16xi32>
    %min3A_360 = arith.minsi %min3A_359, %max3A_358 : vector<16xi32>
    %jit3A_361 = arith.constant 0 : i32
    %jit3A_362 = arith.constant 95 : i32
    %max3A_363 = vector.broadcast %jit3A_361 : i32 to vector<16xi32>
    %max3A_364 = arith.maxsi %max3A_363, %get3A_339 : vector<16xi32>
    %min3A_365 = vector.broadcast %jit3A_362 : i32 to vector<16xi32>
    %min3A_366 = arith.minsi %min3A_365, %max3A_364 : vector<16xi32>
    %iota3A_367 = tpu.iota {dimensions = array<i32: 0>} : vector<16xi32>
    %add3A_368 = arith.constant 112 : i32
    %add3A_369 = vector.broadcast %add3A_368 : i32 to vector<16xi32>
    %add3A_370 = arith.addi %add3A_369, %iota3A_367 : vector<16xi32>
    %mul3A_371 = arith.constant 96 : i32
    %mul3A_372 = arith.muli %arg1, %mul3A_371 : i32
    %add3A_373 = vector.broadcast %mul3A_372 : i32 to vector<16xi32>
    %add3A_374 = arith.addi %add3A_373, %min3A_366 : vector<16xi32>
    %mul3A_375 = arith.constant 96 : i32
    %mul3A_376 = vector.broadcast %mul3A_375 : i32 to vector<16xi32>
    %mul3A_377 = arith.muli %add3A_374, %mul3A_376 : vector<16xi32>
    %add3A_378 = arith.addi %mul3A_377, %min3A_360 : vector<16xi32>
    %mul3A_379 = arith.constant 128 : i32
    %mul3A_380 = vector.broadcast %mul3A_379 : i32 to vector<16xi32>
    %mul3A_381 = arith.muli %add3A_378, %mul3A_380 : vector<16xi32>
    %add3A_382 = arith.addi %mul3A_381, %add3A_370 : vector<16xi32>
    %swap3A_383 = arith.constant 112 : index
    %swap3A_384 = tpu.vector_load %arg6[%swap3A_383] {strides = array<i32>} : memref<128xi32, #tpu.memory_space<vmem>>, vector<16xi32>,
    tpu.vector_store %arg6[%swap3A_383], %add3A_382 {strides = array<i32>} : memref<128xi32, #tpu.memory_space<vmem>>, vector<16xi32>,
    %dma_start3A = arith.constant 0 : i32
    %dma_start3A_385 = tpu.memref_slice %arg3[%dma_start3A] : memref<20054016xf32, #tpu.memory_space<hbm>> -> memref<20054016xf32, #tpu.memory_space<hbm>>
    tpu.enqueue_indirect_dma source(%dma_start3A_385 : memref<20054016xf32, #tpu.memory_space<hbm>>) target(%arg7 : memref<128xf32, #tpu.memory_space<vmem>>) offsets(%arg6 : memref<128xi32, #tpu.memory_space<vmem>>) semaphore(%arg9 : memref<!tpu.dma_semaphore, #tpu.memory_space<semaphore_mem>>)
    %dma_wait3A = arith.constant 0 : i32
    %dma_wait3A_386 = tpu.memref_slice %arg3[%dma_wait3A] : memref<20054016xf32, #tpu.memory_space<hbm>> -> memref<20054016xf32, #tpu.memory_space<hbm>>
    tpu.wait_indirect_dma semaphore(%arg9 : memref<!tpu.dma_semaphore, #tpu.memory_space<semaphore_mem>>) src(%dma_wait3A_386 : memref<20054016xf32, #tpu.memory_space<hbm>>) dst(%arg7 : memref<128xf32, #tpu.memory_space<vmem>>)
    %broadcast_in_dim3A = arith.constant 1 : i32
    %broadcast_in_dim3A_387 = vector.broadcast %broadcast_in_dim3A : i32 to vector<16xi32>
    %broadcast_in_dim3A_388 = arith.constant 0 : i32
    %broadcast_in_dim3A_389 = vector.broadcast %broadcast_in_dim3A_388 : i32 to vector<16xi32>
    %get3A_390 = arith.constant 0 : index
    %get3A_391 = tpu.vector_load %arg7[%get3A_390] {strides = array<i32>} : memref<128xf32, #tpu.memory_space<vmem>>, vector<16xf32>,
    %gt3A_392 = arith.constant 4.000000e-01 : f32
    %gt3A_393 = vector.broadcast %gt3A_392 : f32 to vector<16xf32>
    %gt3A_394 = arith.cmpf ogt, %get3A_391, %gt3A_393 : vector<16xf32>
    %and3A_395 = arith.andi %gt3A_394, %and3A_17 : vector<16xi1>
    %select_n3A = arith.select %and3A_395, %broadcast_in_dim3A_387, %broadcast_in_dim3A_389 : vector<16xi1>, vector<16xi32>
    %swap3A_396 = arith.constant 0 : index
    %swap3A_397 = tpu.vector_load %arg8[%swap3A_396] {strides = array<i32>} : memref<128xi32, #tpu.memory_space<vmem>>, vector<16xi32>,
    tpu.vector_store %arg8[%swap3A_396], %select_n3A {strides = array<i32>} : memref<128xi32, #tpu.memory_space<vmem>>, vector<16xi32>,
    %get3A_398 = arith.constant 16 : index
    %get3A_399 = tpu.vector_load %arg7[%get3A_398] {strides = array<i32>} : memref<128xf32, #tpu.memory_space<vmem>>, vector<16xf32>,
    %gt3A_400 = arith.constant 4.000000e-01 : f32
    %gt3A_401 = vector.broadcast %gt3A_400 : f32 to vector<16xf32>
    %gt3A_402 = arith.cmpf ogt, %get3A_399, %gt3A_401 : vector<16xf32>
    %and3A_403 = arith.andi %gt3A_402, %and3A_60 : vector<16xi1>
    %select_n3A_404 = arith.select %and3A_403, %broadcast_in_dim3A_387, %broadcast_in_dim3A_389 : vector<16xi1>, vector<16xi32>
    %swap3A_405 = arith.constant 16 : index
    %swap3A_406 = tpu.vector_load %arg8[%swap3A_405] {strides = array<i32>} : memref<128xi32, #tpu.memory_space<vmem>>, vector<16xi32>,
    tpu.vector_store %arg8[%swap3A_405], %select_n3A_404 {strides = array<i32>} : memref<128xi32, #tpu.memory_space<vmem>>, vector<16xi32>,
    %get3A_407 = arith.constant 32 : index
    %get3A_408 = tpu.vector_load %arg7[%get3A_407] {strides = array<i32>} : memref<128xf32, #tpu.memory_space<vmem>>, vector<16xf32>,
    %gt3A_409 = arith.constant 4.000000e-01 : f32
    %gt3A_410 = vector.broadcast %gt3A_409 : f32 to vector<16xf32>
    %gt3A_411 = arith.cmpf ogt, %get3A_408, %gt3A_410 : vector<16xf32>
    %and3A_412 = arith.andi %gt3A_411, %and3A_109 : vector<16xi1>
    %select_n3A_413 = arith.select %and3A_412, %broadcast_in_dim3A_387, %broadcast_in_dim3A_389 : vector<16xi1>, vector<16xi32>
    %swap3A_414 = arith.constant 32 : index
    %swap3A_415 = tpu.vector_load %arg8[%swap3A_414] {strides = array<i32>} : memref<128xi32, #tpu.memory_space<vmem>>, vector<16xi32>,
    tpu.vector_store %arg8[%swap3A_414], %select_n3A_413 {strides = array<i32>} : memref<128xi32, #tpu.memory_space<vmem>>, vector<16xi32>,
    %get3A_416 = arith.constant 48 : index
    %get3A_417 = tpu.vector_load %arg7[%get3A_416] {strides = array<i32>} : memref<128xf32, #tpu.memory_space<vmem>>, vector<16xf32>,
    %gt3A_418 = arith.constant 4.000000e-01 : f32
    %gt3A_419 = vector.broadcast %gt3A_418 : f32 to vector<16xf32>
    %gt3A_420 = arith.cmpf ogt, %get3A_417, %gt3A_419 : vector<16xf32>
    %and3A_421 = arith.andi %gt3A_420, %and3A_158 : vector<16xi1>
    %select_n3A_422 = arith.select %and3A_421, %broadcast_in_dim3A_387, %broadcast_in_dim3A_389 : vector<16xi1>, vector<16xi32>
    %swap3A_423 = arith.constant 48 : index
    %swap3A_424 = tpu.vector_load %arg8[%swap3A_423] {strides = array<i32>} : memref<128xi32, #tpu.memory_space<vmem>>, vector<16xi32>,
    tpu.vector_store %arg8[%swap3A_423], %select_n3A_422 {strides = array<i32>} : memref<128xi32, #tpu.memory_space<vmem>>, vector<16xi32>,
    %get3A_425 = arith.constant 64 : index
    %get3A_426 = tpu.vector_load %arg7[%get3A_425] {strides = array<i32>} : memref<128xf32, #tpu.memory_space<vmem>>, vector<16xf32>,
    %gt3A_427 = arith.constant 4.000000e-01 : f32
    %gt3A_428 = vector.broadcast %gt3A_427 : f32 to vector<16xf32>
    %gt3A_429 = arith.cmpf ogt, %get3A_426, %gt3A_428 : vector<16xf32>
    %and3A_430 = arith.andi %gt3A_429, %and3A_207 : vector<16xi1>
    %select_n3A_431 = arith.select %and3A_430, %broadcast_in_dim3A_387, %broadcast_in_dim3A_389 : vector<16xi1>, vector<16xi32>
    %swap3A_432 = arith.constant 64 : index
    %swap3A_433 = tpu.vector_load %arg8[%swap3A_432] {strides = array<i32>} : memref<128xi32, #tpu.memory_space<vmem>>, vector<16xi32>,
    tpu.vector_store %arg8[%swap3A_432], %select_n3A_431 {strides = array<i32>} : memref<128xi32, #tpu.memory_space<vmem>>, vector<16xi32>,
    %get3A_434 = arith.constant 80 : index
    %get3A_435 = tpu.vector_load %arg7[%get3A_434] {strides = array<i32>} : memref<128xf32, #tpu.memory_space<vmem>>, vector<16xf32>,
    %gt3A_436 = arith.constant 4.000000e-01 : f32
    %gt3A_437 = vector.broadcast %gt3A_436 : f32 to vector<16xf32>
    %gt3A_438 = arith.cmpf ogt, %get3A_435, %gt3A_437 : vector<16xf32>
    %and3A_439 = arith.andi %gt3A_438, %and3A_256 : vector<16xi1>
    %select_n3A_440 = arith.select %and3A_439, %broadcast_in_dim3A_387, %broadcast_in_dim3A_389 : vector<16xi1>, vector<16xi32>
    %swap3A_441 = arith.constant 80 : index
    %swap3A_442 = tpu.vector_load %arg8[%swap3A_441] {strides = array<i32>} : memref<128xi32, #tpu.memory_space<vmem>>, vector<16xi32>,
    tpu.vector_store %arg8[%swap3A_441], %select_n3A_440 {strides = array<i32>} : memref<128xi32, #tpu.memory_space<vmem>>, vector<16xi32>,
    %get3A_443 = arith.constant 96 : index
    %get3A_444 = tpu.vector_load %arg7[%get3A_443] {strides = array<i32>} : memref<128xf32, #tpu.memory_space<vmem>>, vector<16xf32>,
    %gt3A_445 = arith.constant 4.000000e-01 : f32
    %gt3A_446 = vector.broadcast %gt3A_445 : f32 to vector<16xf32>
    %gt3A_447 = arith.cmpf ogt, %get3A_444, %gt3A_446 : vector<16xf32>
    %and3A_448 = arith.andi %gt3A_447, %and3A_305 : vector<16xi1>
    %select_n3A_449 = arith.select %and3A_448, %broadcast_in_dim3A_387, %broadcast_in_dim3A_389 : vector<16xi1>, vector<16xi32>
    %swap3A_450 = arith.constant 96 : index
    %swap3A_451 = tpu.vector_load %arg8[%swap3A_450] {strides = array<i32>} : memref<128xi32, #tpu.memory_space<vmem>>, vector<16xi32>,
    tpu.vector_store %arg8[%swap3A_450], %select_n3A_449 {strides = array<i32>} : memref<128xi32, #tpu.memory_space<vmem>>, vector<16xi32>,
    %get3A_452 = arith.constant 112 : index
    %get3A_453 = tpu.vector_load %arg7[%get3A_452] {strides = array<i32>} : memref<128xf32, #tpu.memory_space<vmem>>, vector<16xf32>,
    %gt3A_454 = arith.constant 4.000000e-01 : f32
    %gt3A_455 = vector.broadcast %gt3A_454 : f32 to vector<16xf32>
    %gt3A_456 = arith.cmpf ogt, %get3A_453, %gt3A_455 : vector<16xf32>
    %and3A_457 = arith.andi %gt3A_456, %and3A_354 : vector<16xi1>
    %select_n3A_458 = arith.select %and3A_457, %broadcast_in_dim3A_387, %broadcast_in_dim3A_389 : vector<16xi1>, vector<16xi32>
    %swap3A_459 = arith.constant 112 : index
    %swap3A_460 = tpu.vector_load %arg8[%swap3A_459] {strides = array<i32>} : memref<128xi32, #tpu.memory_space<vmem>>, vector<16xi32>,
    tpu.vector_store %arg8[%swap3A_459], %select_n3A_458 {strides = array<i32>} : memref<128xi32, #tpu.memory_space<vmem>>, vector<16xi32>,
    %mul3A_461 = arith.constant 128 : i32
    %mul3A_462 = arith.muli %arg1, %mul3A_461 : i32
    "tpu.region"() ({
      %run_scoped3A = tpu.sem_alloc : memref<!tpu.dma_semaphore, #tpu.memory_space<semaphore_mem>>
      %dma_start3A_466 = tpu.memref_slice %arg4[%mul3A_462] : memref<2176xi32, #tpu.memory_space<hbm>> -> memref<128xi32, #tpu.memory_space<hbm>>
      %dma_start3A_467 = tpu.memref_slice %arg4[%mul3A_462] : memref<2176xi32, #tpu.memory_space<hbm>> -> memref<128xi32, #tpu.memory_space<hbm>>
      tpu.enqueue_dma source(%arg8 : memref<128xi32, #tpu.memory_space<vmem>>) target(%dma_start3A_467 : memref<128xi32, #tpu.memory_space<hbm>>) target_semaphore(%run_scoped3A : memref<!tpu.dma_semaphore, #tpu.memory_space<semaphore_mem>>)
      %dma_wait3A_468 = tpu.memref_slice %arg4[%mul3A_462] : memref<2176xi32, #tpu.memory_space<hbm>> -> memref<128xi32, #tpu.memory_space<hbm>>
      %dma_wait3A_469 = tpu.memref_slice %arg4[%mul3A_462] : memref<2176xi32, #tpu.memory_space<hbm>> -> memref<128xi32, #tpu.memory_space<hbm>>
      tpu.wait_dma2 semaphore(%run_scoped3A : memref<!tpu.dma_semaphore, #tpu.memory_space<semaphore_mem>>) src(%arg8 : memref<128xi32, #tpu.memory_space<vmem>>) dst(%dma_wait3A_469 : memref<128xi32, #tpu.memory_space<hbm>>)
      tpu.yield
    }) : () -> ()
    %lt3A_463 = arith.constant 1 : i32
    %lt3A_464 = arith.cmpi slt, %arg1, %lt3A_463 : i32
    %convert_element_type3A = arith.extui %lt3A_464 : i1 to i32
    %cond3A = arith.constant 0 : i32
    %cond3A_465 = arith.cmpi ne, %convert_element_type3A, %cond3A : i32
    scf.if %cond3A_465 {
      %add3A_466 = arith.constant 16 : i32
      %add3A_467 = arith.addi %arg1, %add3A_466 : i32
      %mul3A_468 = arith.constant 2 : i32
      %mul3A_469 = arith.muli %add3A_467, %mul3A_468 : i32
      %mul3A_470 = arith.constant 128 : i32
      %mul3A_471 = arith.muli %mul3A_469, %mul3A_470 : i32
      "tpu.region"() ({
        %run_scoped3A = tpu.sem_alloc : memref<!tpu.dma_semaphore, #tpu.memory_space<semaphore_mem>>
        %dma_start3A_946 = tpu.memref_slice %arg2[%mul3A_471] : memref<4352xi32, #tpu.memory_space<hbm>> -> memref<256xi32, #tpu.memory_space<hbm>>
        %dma_start3A_947 = tpu.memref_slice %arg2[%mul3A_471] : memref<4352xi32, #tpu.memory_space<hbm>> -> memref<256xi32, #tpu.memory_space<hbm>>
        tpu.enqueue_dma source(%dma_start3A_947 : memref<256xi32, #tpu.memory_space<hbm>>) target(%arg5 : memref<256xi32, #tpu.memory_space<vmem>>) target_semaphore(%run_scoped3A : memref<!tpu.dma_semaphore, #tpu.memory_space<semaphore_mem>>)
        %dma_wait3A_948 = tpu.memref_slice %arg2[%mul3A_471] : memref<4352xi32, #tpu.memory_space<hbm>> -> memref<256xi32, #tpu.memory_space<hbm>>
        %dma_wait3A_949 = tpu.memref_slice %arg2[%mul3A_471] : memref<4352xi32, #tpu.memory_space<hbm>> -> memref<256xi32, #tpu.memory_space<hbm>>
        tpu.wait_dma2 semaphore(%run_scoped3A : memref<!tpu.dma_semaphore, #tpu.memory_space<semaphore_mem>>) src(%dma_wait3A_949 : memref<256xi32, #tpu.memory_space<hbm>>) dst(%arg5 : memref<256xi32, #tpu.memory_space<vmem>>)
        tpu.yield
      }) : () -> ()
      %get3A_472 = arith.constant 0 : index
      %get3A_473 = tpu.vector_load %arg5[%get3A_472] {strides = array<i32>} : memref<256xi32, #tpu.memory_space<vmem>>, vector<16xi32>,
      %get3A_474 = arith.constant 128 : index
      %get3A_475 = tpu.vector_load %arg5[%get3A_474] {strides = array<i32>} : memref<256xi32, #tpu.memory_space<vmem>>, vector<16xi32>,
      %gt3A_476 = arith.constant -1 : i32
      %gt3A_477 = vector.broadcast %gt3A_476 : i32 to vector<16xi32>
      %gt3A_478 = arith.cmpi sgt, %get3A_473, %gt3A_477 : vector<16xi32>
      %gt3A_479 = arith.constant -1 : i32
      %gt3A_480 = vector.broadcast %gt3A_479 : i32 to vector<16xi32>
      %gt3A_481 = arith.cmpi sgt, %get3A_475, %gt3A_480 : vector<16xi32>
      %and3A_482 = arith.andi %gt3A_478, %gt3A_481 : vector<16xi1>
      %lt3A_483 = arith.constant 96 : i32
      %lt3A_484 = vector.broadcast %lt3A_483 : i32 to vector<16xi32>
      %lt3A_485 = arith.cmpi slt, %get3A_473, %lt3A_484 : vector<16xi32>
      %and3A_486 = arith.andi %and3A_482, %lt3A_485 : vector<16xi1>
      %lt3A_487 = arith.constant 96 : i32
      %lt3A_488 = vector.broadcast %lt3A_487 : i32 to vector<16xi32>
      %lt3A_489 = arith.cmpi slt, %get3A_475, %lt3A_488 : vector<16xi32>
      %and3A_490 = arith.andi %and3A_486, %lt3A_489 : vector<16xi1>
      %jit3A_491 = arith.constant 0 : i32
      %jit3A_492 = arith.constant 95 : i32
      %max3A_493 = vector.broadcast %jit3A_491 : i32 to vector<16xi32>
      %max3A_494 = arith.maxsi %max3A_493, %get3A_473 : vector<16xi32>
      %min3A_495 = vector.broadcast %jit3A_492 : i32 to vector<16xi32>
      %min3A_496 = arith.minsi %min3A_495, %max3A_494 : vector<16xi32>
      %jit3A_497 = arith.constant 0 : i32
      %jit3A_498 = arith.constant 95 : i32
      %max3A_499 = vector.broadcast %jit3A_497 : i32 to vector<16xi32>
      %max3A_500 = arith.maxsi %max3A_499, %get3A_475 : vector<16xi32>
      %min3A_501 = vector.broadcast %jit3A_498 : i32 to vector<16xi32>
      %min3A_502 = arith.minsi %min3A_501, %max3A_500 : vector<16xi32>
      %iota3A_503 = tpu.iota {dimensions = array<i32: 0>} : vector<16xi32>
      %add3A_504 = arith.constant 0 : i32
      %add3A_505 = vector.broadcast %add3A_504 : i32 to vector<16xi32>
      %add3A_506 = arith.addi %add3A_505, %iota3A_503 : vector<16xi32>
      %mul3A_507 = arith.constant 96 : i32
      %mul3A_508 = arith.muli %add3A_467, %mul3A_507 : i32
      %add3A_509 = vector.broadcast %mul3A_508 : i32 to vector<16xi32>
      %add3A_510 = arith.addi %add3A_509, %min3A_502 : vector<16xi32>
      %mul3A_511 = arith.constant 96 : i32
      %mul3A_512 = vector.broadcast %mul3A_511 : i32 to vector<16xi32>
      %mul3A_513 = arith.muli %add3A_510, %mul3A_512 : vector<16xi32>
      %add3A_514 = arith.addi %mul3A_513, %min3A_496 : vector<16xi32>
      %mul3A_515 = arith.constant 128 : i32
      %mul3A_516 = vector.broadcast %mul3A_515 : i32 to vector<16xi32>
      %mul3A_517 = arith.muli %add3A_514, %mul3A_516 : vector<16xi32>
      %add3A_518 = arith.addi %mul3A_517, %add3A_506 : vector<16xi32>
      %swap3A_519 = arith.constant 0 : index
      %swap3A_520 = tpu.vector_load %arg6[%swap3A_519] {strides = array<i32>} : memref<128xi32, #tpu.memory_space<vmem>>, vector<16xi32>,
      tpu.vector_store %arg6[%swap3A_519], %add3A_518 {strides = array<i32>} : memref<128xi32, #tpu.memory_space<vmem>>, vector<16xi32>,
      %get3A_521 = arith.constant 16 : index
      %get3A_522 = tpu.vector_load %arg5[%get3A_521] {strides = array<i32>} : memref<256xi32, #tpu.memory_space<vmem>>, vector<16xi32>,
      %get3A_523 = arith.constant 144 : index
      %get3A_524 = tpu.vector_load %arg5[%get3A_523] {strides = array<i32>} : memref<256xi32, #tpu.memory_space<vmem>>, vector<16xi32>,
      %gt3A_525 = arith.constant -1 : i32
      %gt3A_526 = vector.broadcast %gt3A_525 : i32 to vector<16xi32>
      %gt3A_527 = arith.cmpi sgt, %get3A_522, %gt3A_526 : vector<16xi32>
      %gt3A_528 = arith.constant -1 : i32
      %gt3A_529 = vector.broadcast %gt3A_528 : i32 to vector<16xi32>
      %gt3A_530 = arith.cmpi sgt, %get3A_524, %gt3A_529 : vector<16xi32>
      %and3A_531 = arith.andi %gt3A_527, %gt3A_530 : vector<16xi1>
      %lt3A_532 = arith.constant 96 : i32
      %lt3A_533 = vector.broadcast %lt3A_532 : i32 to vector<16xi32>
      %lt3A_534 = arith.cmpi slt, %get3A_522, %lt3A_533 : vector<16xi32>
      %and3A_535 = arith.andi %and3A_531, %lt3A_534 : vector<16xi1>
      %lt3A_536 = arith.constant 96 : i32
      %lt3A_537 = vector.broadcast %lt3A_536 : i32 to vector<16xi32>
      %lt3A_538 = arith.cmpi slt, %get3A_524, %lt3A_537 : vector<16xi32>
      %and3A_539 = arith.andi %and3A_535, %lt3A_538 : vector<16xi1>
      %jit3A_540 = arith.constant 0 : i32
      %jit3A_541 = arith.constant 95 : i32
      %max3A_542 = vector.broadcast %jit3A_540 : i32 to vector<16xi32>
      %max3A_543 = arith.maxsi %max3A_542, %get3A_522 : vector<16xi32>
      %min3A_544 = vector.broadcast %jit3A_541 : i32 to vector<16xi32>
      %min3A_545 = arith.minsi %min3A_544, %max3A_543 : vector<16xi32>
      %jit3A_546 = arith.constant 0 : i32
      %jit3A_547 = arith.constant 95 : i32
      %max3A_548 = vector.broadcast %jit3A_546 : i32 to vector<16xi32>
      %max3A_549 = arith.maxsi %max3A_548, %get3A_524 : vector<16xi32>
      %min3A_550 = vector.broadcast %jit3A_547 : i32 to vector<16xi32>
      %min3A_551 = arith.minsi %min3A_550, %max3A_549 : vector<16xi32>
      %iota3A_552 = tpu.iota {dimensions = array<i32: 0>} : vector<16xi32>
      %add3A_553 = arith.constant 16 : i32
      %add3A_554 = vector.broadcast %add3A_553 : i32 to vector<16xi32>
      %add3A_555 = arith.addi %add3A_554, %iota3A_552 : vector<16xi32>
      %mul3A_556 = arith.constant 96 : i32
      %mul3A_557 = arith.muli %add3A_467, %mul3A_556 : i32
      %add3A_558 = vector.broadcast %mul3A_557 : i32 to vector<16xi32>
      %add3A_559 = arith.addi %add3A_558, %min3A_551 : vector<16xi32>
      %mul3A_560 = arith.constant 96 : i32
      %mul3A_561 = vector.broadcast %mul3A_560 : i32 to vector<16xi32>
      %mul3A_562 = arith.muli %add3A_559, %mul3A_561 : vector<16xi32>
      %add3A_563 = arith.addi %mul3A_562, %min3A_545 : vector<16xi32>
      %mul3A_564 = arith.constant 128 : i32
      %mul3A_565 = vector.broadcast %mul3A_564 : i32 to vector<16xi32>
      %mul3A_566 = arith.muli %add3A_563, %mul3A_565 : vector<16xi32>
      %add3A_567 = arith.addi %mul3A_566, %add3A_555 : vector<16xi32>
      %swap3A_568 = arith.constant 16 : index
      %swap3A_569 = tpu.vector_load %arg6[%swap3A_568] {strides = array<i32>} : memref<128xi32, #tpu.memory_space<vmem>>, vector<16xi32>,
      tpu.vector_store %arg6[%swap3A_568], %add3A_567 {strides = array<i32>} : memref<128xi32, #tpu.memory_space<vmem>>, vector<16xi32>,
      %get3A_570 = arith.constant 32 : index
      %get3A_571 = tpu.vector_load %arg5[%get3A_570] {strides = array<i32>} : memref<256xi32, #tpu.memory_space<vmem>>, vector<16xi32>,
      %get3A_572 = arith.constant 160 : index
      %get3A_573 = tpu.vector_load %arg5[%get3A_572] {strides = array<i32>} : memref<256xi32, #tpu.memory_space<vmem>>, vector<16xi32>,
      %gt3A_574 = arith.constant -1 : i32
      %gt3A_575 = vector.broadcast %gt3A_574 : i32 to vector<16xi32>
      %gt3A_576 = arith.cmpi sgt, %get3A_571, %gt3A_575 : vector<16xi32>
      %gt3A_577 = arith.constant -1 : i32
      %gt3A_578 = vector.broadcast %gt3A_577 : i32 to vector<16xi32>
      %gt3A_579 = arith.cmpi sgt, %get3A_573, %gt3A_578 : vector<16xi32>
      %and3A_580 = arith.andi %gt3A_576, %gt3A_579 : vector<16xi1>
      %lt3A_581 = arith.constant 96 : i32
      %lt3A_582 = vector.broadcast %lt3A_581 : i32 to vector<16xi32>
      %lt3A_583 = arith.cmpi slt, %get3A_571, %lt3A_582 : vector<16xi32>
      %and3A_584 = arith.andi %and3A_580, %lt3A_583 : vector<16xi1>
      %lt3A_585 = arith.constant 96 : i32
      %lt3A_586 = vector.broadcast %lt3A_585 : i32 to vector<16xi32>
      %lt3A_587 = arith.cmpi slt, %get3A_573, %lt3A_586 : vector<16xi32>
      %and3A_588 = arith.andi %and3A_584, %lt3A_587 : vector<16xi1>
      %jit3A_589 = arith.constant 0 : i32
      %jit3A_590 = arith.constant 95 : i32
      %max3A_591 = vector.broadcast %jit3A_589 : i32 to vector<16xi32>
      %max3A_592 = arith.maxsi %max3A_591, %get3A_571 : vector<16xi32>
      %min3A_593 = vector.broadcast %jit3A_590 : i32 to vector<16xi32>
      %min3A_594 = arith.minsi %min3A_593, %max3A_592 : vector<16xi32>
      %jit3A_595 = arith.constant 0 : i32
      %jit3A_596 = arith.constant 95 : i32
      %max3A_597 = vector.broadcast %jit3A_595 : i32 to vector<16xi32>
      %max3A_598 = arith.maxsi %max3A_597, %get3A_573 : vector<16xi32>
      %min3A_599 = vector.broadcast %jit3A_596 : i32 to vector<16xi32>
      %min3A_600 = arith.minsi %min3A_599, %max3A_598 : vector<16xi32>
      %iota3A_601 = tpu.iota {dimensions = array<i32: 0>} : vector<16xi32>
      %add3A_602 = arith.constant 32 : i32
      %add3A_603 = vector.broadcast %add3A_602 : i32 to vector<16xi32>
      %add3A_604 = arith.addi %add3A_603, %iota3A_601 : vector<16xi32>
      %mul3A_605 = arith.constant 96 : i32
      %mul3A_606 = arith.muli %add3A_467, %mul3A_605 : i32
      %add3A_607 = vector.broadcast %mul3A_606 : i32 to vector<16xi32>
      %add3A_608 = arith.addi %add3A_607, %min3A_600 : vector<16xi32>
      %mul3A_609 = arith.constant 96 : i32
      %mul3A_610 = vector.broadcast %mul3A_609 : i32 to vector<16xi32>
      %mul3A_611 = arith.muli %add3A_608, %mul3A_610 : vector<16xi32>
      %add3A_612 = arith.addi %mul3A_611, %min3A_594 : vector<16xi32>
      %mul3A_613 = arith.constant 128 : i32
      %mul3A_614 = vector.broadcast %mul3A_613 : i32 to vector<16xi32>
      %mul3A_615 = arith.muli %add3A_612, %mul3A_614 : vector<16xi32>
      %add3A_616 = arith.addi %mul3A_615, %add3A_604 : vector<16xi32>
      %swap3A_617 = arith.constant 32 : index
      %swap3A_618 = tpu.vector_load %arg6[%swap3A_617] {strides = array<i32>} : memref<128xi32, #tpu.memory_space<vmem>>, vector<16xi32>,
      tpu.vector_store %arg6[%swap3A_617], %add3A_616 {strides = array<i32>} : memref<128xi32, #tpu.memory_space<vmem>>, vector<16xi32>,
      %get3A_619 = arith.constant 48 : index
      %get3A_620 = tpu.vector_load %arg5[%get3A_619] {strides = array<i32>} : memref<256xi32, #tpu.memory_space<vmem>>, vector<16xi32>,
      %get3A_621 = arith.constant 176 : index
      %get3A_622 = tpu.vector_load %arg5[%get3A_621] {strides = array<i32>} : memref<256xi32, #tpu.memory_space<vmem>>, vector<16xi32>,
      %gt3A_623 = arith.constant -1 : i32
      %gt3A_624 = vector.broadcast %gt3A_623 : i32 to vector<16xi32>
      %gt3A_625 = arith.cmpi sgt, %get3A_620, %gt3A_624 : vector<16xi32>
      %gt3A_626 = arith.constant -1 : i32
      %gt3A_627 = vector.broadcast %gt3A_626 : i32 to vector<16xi32>
      %gt3A_628 = arith.cmpi sgt, %get3A_622, %gt3A_627 : vector<16xi32>
      %and3A_629 = arith.andi %gt3A_625, %gt3A_628 : vector<16xi1>
      %lt3A_630 = arith.constant 96 : i32
      %lt3A_631 = vector.broadcast %lt3A_630 : i32 to vector<16xi32>
      %lt3A_632 = arith.cmpi slt, %get3A_620, %lt3A_631 : vector<16xi32>
      %and3A_633 = arith.andi %and3A_629, %lt3A_632 : vector<16xi1>
      %lt3A_634 = arith.constant 96 : i32
      %lt3A_635 = vector.broadcast %lt3A_634 : i32 to vector<16xi32>
      %lt3A_636 = arith.cmpi slt, %get3A_622, %lt3A_635 : vector<16xi32>
      %and3A_637 = arith.andi %and3A_633, %lt3A_636 : vector<16xi1>
      %jit3A_638 = arith.constant 0 : i32
      %jit3A_639 = arith.constant 95 : i32
      %max3A_640 = vector.broadcast %jit3A_638 : i32 to vector<16xi32>
      %max3A_641 = arith.maxsi %max3A_640, %get3A_620 : vector<16xi32>
      %min3A_642 = vector.broadcast %jit3A_639 : i32 to vector<16xi32>
      %min3A_643 = arith.minsi %min3A_642, %max3A_641 : vector<16xi32>
      %jit3A_644 = arith.constant 0 : i32
      %jit3A_645 = arith.constant 95 : i32
      %max3A_646 = vector.broadcast %jit3A_644 : i32 to vector<16xi32>
      %max3A_647 = arith.maxsi %max3A_646, %get3A_622 : vector<16xi32>
      %min3A_648 = vector.broadcast %jit3A_645 : i32 to vector<16xi32>
      %min3A_649 = arith.minsi %min3A_648, %max3A_647 : vector<16xi32>
      %iota3A_650 = tpu.iota {dimensions = array<i32: 0>} : vector<16xi32>
      %add3A_651 = arith.constant 48 : i32
      %add3A_652 = vector.broadcast %add3A_651 : i32 to vector<16xi32>
      %add3A_653 = arith.addi %add3A_652, %iota3A_650 : vector<16xi32>
      %mul3A_654 = arith.constant 96 : i32
      %mul3A_655 = arith.muli %add3A_467, %mul3A_654 : i32
      %add3A_656 = vector.broadcast %mul3A_655 : i32 to vector<16xi32>
      %add3A_657 = arith.addi %add3A_656, %min3A_649 : vector<16xi32>
      %mul3A_658 = arith.constant 96 : i32
      %mul3A_659 = vector.broadcast %mul3A_658 : i32 to vector<16xi32>
      %mul3A_660 = arith.muli %add3A_657, %mul3A_659 : vector<16xi32>
      %add3A_661 = arith.addi %mul3A_660, %min3A_643 : vector<16xi32>
      %mul3A_662 = arith.constant 128 : i32
      %mul3A_663 = vector.broadcast %mul3A_662 : i32 to vector<16xi32>
      %mul3A_664 = arith.muli %add3A_661, %mul3A_663 : vector<16xi32>
      %add3A_665 = arith.addi %mul3A_664, %add3A_653 : vector<16xi32>
      %swap3A_666 = arith.constant 48 : index
      %swap3A_667 = tpu.vector_load %arg6[%swap3A_666] {strides = array<i32>} : memref<128xi32, #tpu.memory_space<vmem>>, vector<16xi32>,
      tpu.vector_store %arg6[%swap3A_666], %add3A_665 {strides = array<i32>} : memref<128xi32, #tpu.memory_space<vmem>>, vector<16xi32>,
      %get3A_668 = arith.constant 64 : index
      %get3A_669 = tpu.vector_load %arg5[%get3A_668] {strides = array<i32>} : memref<256xi32, #tpu.memory_space<vmem>>, vector<16xi32>,
      %get3A_670 = arith.constant 192 : index
      %get3A_671 = tpu.vector_load %arg5[%get3A_670] {strides = array<i32>} : memref<256xi32, #tpu.memory_space<vmem>>, vector<16xi32>,
      %gt3A_672 = arith.constant -1 : i32
      %gt3A_673 = vector.broadcast %gt3A_672 : i32 to vector<16xi32>
      %gt3A_674 = arith.cmpi sgt, %get3A_669, %gt3A_673 : vector<16xi32>
      %gt3A_675 = arith.constant -1 : i32
      %gt3A_676 = vector.broadcast %gt3A_675 : i32 to vector<16xi32>
      %gt3A_677 = arith.cmpi sgt, %get3A_671, %gt3A_676 : vector<16xi32>
      %and3A_678 = arith.andi %gt3A_674, %gt3A_677 : vector<16xi1>
      %lt3A_679 = arith.constant 96 : i32
      %lt3A_680 = vector.broadcast %lt3A_679 : i32 to vector<16xi32>
      %lt3A_681 = arith.cmpi slt, %get3A_669, %lt3A_680 : vector<16xi32>
      %and3A_682 = arith.andi %and3A_678, %lt3A_681 : vector<16xi1>
      %lt3A_683 = arith.constant 96 : i32
      %lt3A_684 = vector.broadcast %lt3A_683 : i32 to vector<16xi32>
      %lt3A_685 = arith.cmpi slt, %get3A_671, %lt3A_684 : vector<16xi32>
      %and3A_686 = arith.andi %and3A_682, %lt3A_685 : vector<16xi1>
      %jit3A_687 = arith.constant 0 : i32
      %jit3A_688 = arith.constant 95 : i32
      %max3A_689 = vector.broadcast %jit3A_687 : i32 to vector<16xi32>
      %max3A_690 = arith.maxsi %max3A_689, %get3A_669 : vector<16xi32>
      %min3A_691 = vector.broadcast %jit3A_688 : i32 to vector<16xi32>
      %min3A_692 = arith.minsi %min3A_691, %max3A_690 : vector<16xi32>
      %jit3A_693 = arith.constant 0 : i32
      %jit3A_694 = arith.constant 95 : i32
      %max3A_695 = vector.broadcast %jit3A_693 : i32 to vector<16xi32>
      %max3A_696 = arith.maxsi %max3A_695, %get3A_671 : vector<16xi32>
      %min3A_697 = vector.broadcast %jit3A_694 : i32 to vector<16xi32>
      %min3A_698 = arith.minsi %min3A_697, %max3A_696 : vector<16xi32>
      %iota3A_699 = tpu.iota {dimensions = array<i32: 0>} : vector<16xi32>
      %add3A_700 = arith.constant 64 : i32
      %add3A_701 = vector.broadcast %add3A_700 : i32 to vector<16xi32>
      %add3A_702 = arith.addi %add3A_701, %iota3A_699 : vector<16xi32>
      %mul3A_703 = arith.constant 96 : i32
      %mul3A_704 = arith.muli %add3A_467, %mul3A_703 : i32
      %add3A_705 = vector.broadcast %mul3A_704 : i32 to vector<16xi32>
      %add3A_706 = arith.addi %add3A_705, %min3A_698 : vector<16xi32>
      %mul3A_707 = arith.constant 96 : i32
      %mul3A_708 = vector.broadcast %mul3A_707 : i32 to vector<16xi32>
      %mul3A_709 = arith.muli %add3A_706, %mul3A_708 : vector<16xi32>
      %add3A_710 = arith.addi %mul3A_709, %min3A_692 : vector<16xi32>
      %mul3A_711 = arith.constant 128 : i32
      %mul3A_712 = vector.broadcast %mul3A_711 : i32 to vector<16xi32>
      %mul3A_713 = arith.muli %add3A_710, %mul3A_712 : vector<16xi32>
      %add3A_714 = arith.addi %mul3A_713, %add3A_702 : vector<16xi32>
      %swap3A_715 = arith.constant 64 : index
      %swap3A_716 = tpu.vector_load %arg6[%swap3A_715] {strides = array<i32>} : memref<128xi32, #tpu.memory_space<vmem>>, vector<16xi32>,
      tpu.vector_store %arg6[%swap3A_715], %add3A_714 {strides = array<i32>} : memref<128xi32, #tpu.memory_space<vmem>>, vector<16xi32>,
      %get3A_717 = arith.constant 80 : index
      %get3A_718 = tpu.vector_load %arg5[%get3A_717] {strides = array<i32>} : memref<256xi32, #tpu.memory_space<vmem>>, vector<16xi32>,
      %get3A_719 = arith.constant 208 : index
      %get3A_720 = tpu.vector_load %arg5[%get3A_719] {strides = array<i32>} : memref<256xi32, #tpu.memory_space<vmem>>, vector<16xi32>,
      %gt3A_721 = arith.constant -1 : i32
      %gt3A_722 = vector.broadcast %gt3A_721 : i32 to vector<16xi32>
      %gt3A_723 = arith.cmpi sgt, %get3A_718, %gt3A_722 : vector<16xi32>
      %gt3A_724 = arith.constant -1 : i32
      %gt3A_725 = vector.broadcast %gt3A_724 : i32 to vector<16xi32>
      %gt3A_726 = arith.cmpi sgt, %get3A_720, %gt3A_725 : vector<16xi32>
      %and3A_727 = arith.andi %gt3A_723, %gt3A_726 : vector<16xi1>
      %lt3A_728 = arith.constant 96 : i32
      %lt3A_729 = vector.broadcast %lt3A_728 : i32 to vector<16xi32>
      %lt3A_730 = arith.cmpi slt, %get3A_718, %lt3A_729 : vector<16xi32>
      %and3A_731 = arith.andi %and3A_727, %lt3A_730 : vector<16xi1>
      %lt3A_732 = arith.constant 96 : i32
      %lt3A_733 = vector.broadcast %lt3A_732 : i32 to vector<16xi32>
      %lt3A_734 = arith.cmpi slt, %get3A_720, %lt3A_733 : vector<16xi32>
      %and3A_735 = arith.andi %and3A_731, %lt3A_734 : vector<16xi1>
      %jit3A_736 = arith.constant 0 : i32
      %jit3A_737 = arith.constant 95 : i32
      %max3A_738 = vector.broadcast %jit3A_736 : i32 to vector<16xi32>
      %max3A_739 = arith.maxsi %max3A_738, %get3A_718 : vector<16xi32>
      %min3A_740 = vector.broadcast %jit3A_737 : i32 to vector<16xi32>
      %min3A_741 = arith.minsi %min3A_740, %max3A_739 : vector<16xi32>
      %jit3A_742 = arith.constant 0 : i32
      %jit3A_743 = arith.constant 95 : i32
      %max3A_744 = vector.broadcast %jit3A_742 : i32 to vector<16xi32>
      %max3A_745 = arith.maxsi %max3A_744, %get3A_720 : vector<16xi32>
      %min3A_746 = vector.broadcast %jit3A_743 : i32 to vector<16xi32>
      %min3A_747 = arith.minsi %min3A_746, %max3A_745 : vector<16xi32>
      %iota3A_748 = tpu.iota {dimensions = array<i32: 0>} : vector<16xi32>
      %add3A_749 = arith.constant 80 : i32
      %add3A_750 = vector.broadcast %add3A_749 : i32 to vector<16xi32>
      %add3A_751 = arith.addi %add3A_750, %iota3A_748 : vector<16xi32>
      %mul3A_752 = arith.constant 96 : i32
      %mul3A_753 = arith.muli %add3A_467, %mul3A_752 : i32
      %add3A_754 = vector.broadcast %mul3A_753 : i32 to vector<16xi32>
      %add3A_755 = arith.addi %add3A_754, %min3A_747 : vector<16xi32>
      %mul3A_756 = arith.constant 96 : i32
      %mul3A_757 = vector.broadcast %mul3A_756 : i32 to vector<16xi32>
      %mul3A_758 = arith.muli %add3A_755, %mul3A_757 : vector<16xi32>
      %add3A_759 = arith.addi %mul3A_758, %min3A_741 : vector<16xi32>
      %mul3A_760 = arith.constant 128 : i32
      %mul3A_761 = vector.broadcast %mul3A_760 : i32 to vector<16xi32>
      %mul3A_762 = arith.muli %add3A_759, %mul3A_761 : vector<16xi32>
      %add3A_763 = arith.addi %mul3A_762, %add3A_751 : vector<16xi32>
      %swap3A_764 = arith.constant 80 : index
      %swap3A_765 = tpu.vector_load %arg6[%swap3A_764] {strides = array<i32>} : memref<128xi32, #tpu.memory_space<vmem>>, vector<16xi32>,
      tpu.vector_store %arg6[%swap3A_764], %add3A_763 {strides = array<i32>} : memref<128xi32, #tpu.memory_space<vmem>>, vector<16xi32>,
      %get3A_766 = arith.constant 96 : index
      %get3A_767 = tpu.vector_load %arg5[%get3A_766] {strides = array<i32>} : memref<256xi32, #tpu.memory_space<vmem>>, vector<16xi32>,
      %get3A_768 = arith.constant 224 : index
      %get3A_769 = tpu.vector_load %arg5[%get3A_768] {strides = array<i32>} : memref<256xi32, #tpu.memory_space<vmem>>, vector<16xi32>,
      %gt3A_770 = arith.constant -1 : i32
      %gt3A_771 = vector.broadcast %gt3A_770 : i32 to vector<16xi32>
      %gt3A_772 = arith.cmpi sgt, %get3A_767, %gt3A_771 : vector<16xi32>
      %gt3A_773 = arith.constant -1 : i32
      %gt3A_774 = vector.broadcast %gt3A_773 : i32 to vector<16xi32>
      %gt3A_775 = arith.cmpi sgt, %get3A_769, %gt3A_774 : vector<16xi32>
      %and3A_776 = arith.andi %gt3A_772, %gt3A_775 : vector<16xi1>
      %lt3A_777 = arith.constant 96 : i32
      %lt3A_778 = vector.broadcast %lt3A_777 : i32 to vector<16xi32>
      %lt3A_779 = arith.cmpi slt, %get3A_767, %lt3A_778 : vector<16xi32>
      %and3A_780 = arith.andi %and3A_776, %lt3A_779 : vector<16xi1>
      %lt3A_781 = arith.constant 96 : i32
      %lt3A_782 = vector.broadcast %lt3A_781 : i32 to vector<16xi32>
      %lt3A_783 = arith.cmpi slt, %get3A_769, %lt3A_782 : vector<16xi32>
      %and3A_784 = arith.andi %and3A_780, %lt3A_783 : vector<16xi1>
      %jit3A_785 = arith.constant 0 : i32
      %jit3A_786 = arith.constant 95 : i32
      %max3A_787 = vector.broadcast %jit3A_785 : i32 to vector<16xi32>
      %max3A_788 = arith.maxsi %max3A_787, %get3A_767 : vector<16xi32>
      %min3A_789 = vector.broadcast %jit3A_786 : i32 to vector<16xi32>
      %min3A_790 = arith.minsi %min3A_789, %max3A_788 : vector<16xi32>
      %jit3A_791 = arith.constant 0 : i32
      %jit3A_792 = arith.constant 95 : i32
      %max3A_793 = vector.broadcast %jit3A_791 : i32 to vector<16xi32>
      %max3A_794 = arith.maxsi %max3A_793, %get3A_769 : vector<16xi32>
      %min3A_795 = vector.broadcast %jit3A_792 : i32 to vector<16xi32>
      %min3A_796 = arith.minsi %min3A_795, %max3A_794 : vector<16xi32>
      %iota3A_797 = tpu.iota {dimensions = array<i32: 0>} : vector<16xi32>
      %add3A_798 = arith.constant 96 : i32
      %add3A_799 = vector.broadcast %add3A_798 : i32 to vector<16xi32>
      %add3A_800 = arith.addi %add3A_799, %iota3A_797 : vector<16xi32>
      %mul3A_801 = arith.constant 96 : i32
      %mul3A_802 = arith.muli %add3A_467, %mul3A_801 : i32
      %add3A_803 = vector.broadcast %mul3A_802 : i32 to vector<16xi32>
      %add3A_804 = arith.addi %add3A_803, %min3A_796 : vector<16xi32>
      %mul3A_805 = arith.constant 96 : i32
      %mul3A_806 = vector.broadcast %mul3A_805 : i32 to vector<16xi32>
      %mul3A_807 = arith.muli %add3A_804, %mul3A_806 : vector<16xi32>
      %add3A_808 = arith.addi %mul3A_807, %min3A_790 : vector<16xi32>
      %mul3A_809 = arith.constant 128 : i32
      %mul3A_810 = vector.broadcast %mul3A_809 : i32 to vector<16xi32>
      %mul3A_811 = arith.muli %add3A_808, %mul3A_810 : vector<16xi32>
      %add3A_812 = arith.addi %mul3A_811, %add3A_800 : vector<16xi32>
      %swap3A_813 = arith.constant 96 : index
      %swap3A_814 = tpu.vector_load %arg6[%swap3A_813] {strides = array<i32>} : memref<128xi32, #tpu.memory_space<vmem>>, vector<16xi32>,
      tpu.vector_store %arg6[%swap3A_813], %add3A_812 {strides = array<i32>} : memref<128xi32, #tpu.memory_space<vmem>>, vector<16xi32>,
      %get3A_815 = arith.constant 112 : index
      %get3A_816 = tpu.vector_load %arg5[%get3A_815] {strides = array<i32>} : memref<256xi32, #tpu.memory_space<vmem>>, vector<16xi32>,
      %get3A_817 = arith.constant 240 : index
      %get3A_818 = tpu.vector_load %arg5[%get3A_817] {strides = array<i32>} : memref<256xi32, #tpu.memory_space<vmem>>, vector<16xi32>,
      %gt3A_819 = arith.constant -1 : i32
      %gt3A_820 = vector.broadcast %gt3A_819 : i32 to vector<16xi32>
      %gt3A_821 = arith.cmpi sgt, %get3A_816, %gt3A_820 : vector<16xi32>
      %gt3A_822 = arith.constant -1 : i32
      %gt3A_823 = vector.broadcast %gt3A_822 : i32 to vector<16xi32>
      %gt3A_824 = arith.cmpi sgt, %get3A_818, %gt3A_823 : vector<16xi32>
      %and3A_825 = arith.andi %gt3A_821, %gt3A_824 : vector<16xi1>
      %lt3A_826 = arith.constant 96 : i32
      %lt3A_827 = vector.broadcast %lt3A_826 : i32 to vector<16xi32>
      %lt3A_828 = arith.cmpi slt, %get3A_816, %lt3A_827 : vector<16xi32>
      %and3A_829 = arith.andi %and3A_825, %lt3A_828 : vector<16xi1>
      %lt3A_830 = arith.constant 96 : i32
      %lt3A_831 = vector.broadcast %lt3A_830 : i32 to vector<16xi32>
      %lt3A_832 = arith.cmpi slt, %get3A_818, %lt3A_831 : vector<16xi32>
      %and3A_833 = arith.andi %and3A_829, %lt3A_832 : vector<16xi1>
      %jit3A_834 = arith.constant 0 : i32
      %jit3A_835 = arith.constant 95 : i32
      %max3A_836 = vector.broadcast %jit3A_834 : i32 to vector<16xi32>
      %max3A_837 = arith.maxsi %max3A_836, %get3A_816 : vector<16xi32>
      %min3A_838 = vector.broadcast %jit3A_835 : i32 to vector<16xi32>
      %min3A_839 = arith.minsi %min3A_838, %max3A_837 : vector<16xi32>
      %jit3A_840 = arith.constant 0 : i32
      %jit3A_841 = arith.constant 95 : i32
      %max3A_842 = vector.broadcast %jit3A_840 : i32 to vector<16xi32>
      %max3A_843 = arith.maxsi %max3A_842, %get3A_818 : vector<16xi32>
      %min3A_844 = vector.broadcast %jit3A_841 : i32 to vector<16xi32>
      %min3A_845 = arith.minsi %min3A_844, %max3A_843 : vector<16xi32>
      %iota3A_846 = tpu.iota {dimensions = array<i32: 0>} : vector<16xi32>
      %add3A_847 = arith.constant 112 : i32
      %add3A_848 = vector.broadcast %add3A_847 : i32 to vector<16xi32>
      %add3A_849 = arith.addi %add3A_848, %iota3A_846 : vector<16xi32>
      %mul3A_850 = arith.constant 96 : i32
      %mul3A_851 = arith.muli %add3A_467, %mul3A_850 : i32
      %add3A_852 = vector.broadcast %mul3A_851 : i32 to vector<16xi32>
      %add3A_853 = arith.addi %add3A_852, %min3A_845 : vector<16xi32>
      %mul3A_854 = arith.constant 96 : i32
      %mul3A_855 = vector.broadcast %mul3A_854 : i32 to vector<16xi32>
      %mul3A_856 = arith.muli %add3A_853, %mul3A_855 : vector<16xi32>
      %add3A_857 = arith.addi %mul3A_856, %min3A_839 : vector<16xi32>
      %mul3A_858 = arith.constant 128 : i32
      %mul3A_859 = vector.broadcast %mul3A_858 : i32 to vector<16xi32>
      %mul3A_860 = arith.muli %add3A_857, %mul3A_859 : vector<16xi32>
      %add3A_861 = arith.addi %mul3A_860, %add3A_849 : vector<16xi32>
      %swap3A_862 = arith.constant 112 : index
      %swap3A_863 = tpu.vector_load %arg6[%swap3A_862] {strides = array<i32>} : memref<128xi32, #tpu.memory_space<vmem>>, vector<16xi32>,
      tpu.vector_store %arg6[%swap3A_862], %add3A_861 {strides = array<i32>} : memref<128xi32, #tpu.memory_space<vmem>>, vector<16xi32>,
      %dma_start3A_864 = arith.constant 0 : i32
      %dma_start3A_865 = tpu.memref_slice %arg3[%dma_start3A_864] : memref<20054016xf32, #tpu.memory_space<hbm>> -> memref<20054016xf32, #tpu.memory_space<hbm>>
      tpu.enqueue_indirect_dma source(%dma_start3A_865 : memref<20054016xf32, #tpu.memory_space<hbm>>) target(%arg7 : memref<128xf32, #tpu.memory_space<vmem>>) offsets(%arg6 : memref<128xi32, #tpu.memory_space<vmem>>) semaphore(%arg9 : memref<!tpu.dma_semaphore, #tpu.memory_space<semaphore_mem>>)
      %dma_wait3A_866 = arith.constant 0 : i32
      %dma_wait3A_867 = tpu.memref_slice %arg3[%dma_wait3A_866] : memref<20054016xf32, #tpu.memory_space<hbm>> -> memref<20054016xf32, #tpu.memory_space<hbm>>
      tpu.wait_indirect_dma semaphore(%arg9 : memref<!tpu.dma_semaphore, #tpu.memory_space<semaphore_mem>>) src(%dma_wait3A_867 : memref<20054016xf32, #tpu.memory_space<hbm>>) dst(%arg7 : memref<128xf32, #tpu.memory_space<vmem>>)
      %broadcast_in_dim3A_868 = arith.constant 1 : i32
      %broadcast_in_dim3A_869 = vector.broadcast %broadcast_in_dim3A_868 : i32 to vector<16xi32>
      %broadcast_in_dim3A_870 = arith.constant 0 : i32
      %broadcast_in_dim3A_871 = vector.broadcast %broadcast_in_dim3A_870 : i32 to vector<16xi32>
      %get3A_872 = arith.constant 0 : index
      %get3A_873 = tpu.vector_load %arg7[%get3A_872] {strides = array<i32>} : memref<128xf32, #tpu.memory_space<vmem>>, vector<16xf32>,
      %gt3A_874 = arith.constant 4.000000e-01 : f32
      %gt3A_875 = vector.broadcast %gt3A_874 : f32 to vector<16xf32>
      %gt3A_876 = arith.cmpf ogt, %get3A_873, %gt3A_875 : vector<16xf32>
      %and3A_877 = arith.andi %gt3A_876, %and3A_490 : vector<16xi1>
      %select_n3A_878 = arith.select %and3A_877, %broadcast_in_dim3A_869, %broadcast_in_dim3A_871 : vector<16xi1>, vector<16xi32>
      %swap3A_879 = arith.constant 0 : index
      %swap3A_880 = tpu.vector_load %arg8[%swap3A_879] {strides = array<i32>} : memref<128xi32, #tpu.memory_space<vmem>>, vector<16xi32>,
      tpu.vector_store %arg8[%swap3A_879], %select_n3A_878 {strides = array<i32>} : memref<128xi32, #tpu.memory_space<vmem>>, vector<16xi32>,
      %get3A_881 = arith.constant 16 : index
      %get3A_882 = tpu.vector_load %arg7[%get3A_881] {strides = array<i32>} : memref<128xf32, #tpu.memory_space<vmem>>, vector<16xf32>,
      %gt3A_883 = arith.constant 4.000000e-01 : f32
      %gt3A_884 = vector.broadcast %gt3A_883 : f32 to vector<16xf32>
      %gt3A_885 = arith.cmpf ogt, %get3A_882, %gt3A_884 : vector<16xf32>
      %and3A_886 = arith.andi %gt3A_885, %and3A_539 : vector<16xi1>
      %select_n3A_887 = arith.select %and3A_886, %broadcast_in_dim3A_869, %broadcast_in_dim3A_871 : vector<16xi1>, vector<16xi32>
      %swap3A_888 = arith.constant 16 : index
      %swap3A_889 = tpu.vector_load %arg8[%swap3A_888] {strides = array<i32>} : memref<128xi32, #tpu.memory_space<vmem>>, vector<16xi32>,
      tpu.vector_store %arg8[%swap3A_888], %select_n3A_887 {strides = array<i32>} : memref<128xi32, #tpu.memory_space<vmem>>, vector<16xi32>,
      %get3A_890 = arith.constant 32 : index
      %get3A_891 = tpu.vector_load %arg7[%get3A_890] {strides = array<i32>} : memref<128xf32, #tpu.memory_space<vmem>>, vector<16xf32>,
      %gt3A_892 = arith.constant 4.000000e-01 : f32
      %gt3A_893 = vector.broadcast %gt3A_892 : f32 to vector<16xf32>
      %gt3A_894 = arith.cmpf ogt, %get3A_891, %gt3A_893 : vector<16xf32>
      %and3A_895 = arith.andi %gt3A_894, %and3A_588 : vector<16xi1>
      %select_n3A_896 = arith.select %and3A_895, %broadcast_in_dim3A_869, %broadcast_in_dim3A_871 : vector<16xi1>, vector<16xi32>
      %swap3A_897 = arith.constant 32 : index
      %swap3A_898 = tpu.vector_load %arg8[%swap3A_897] {strides = array<i32>} : memref<128xi32, #tpu.memory_space<vmem>>, vector<16xi32>,
      tpu.vector_store %arg8[%swap3A_897], %select_n3A_896 {strides = array<i32>} : memref<128xi32, #tpu.memory_space<vmem>>, vector<16xi32>,
      %get3A_899 = arith.constant 48 : index
      %get3A_900 = tpu.vector_load %arg7[%get3A_899] {strides = array<i32>} : memref<128xf32, #tpu.memory_space<vmem>>, vector<16xf32>,
      %gt3A_901 = arith.constant 4.000000e-01 : f32
      %gt3A_902 = vector.broadcast %gt3A_901 : f32 to vector<16xf32>
      %gt3A_903 = arith.cmpf ogt, %get3A_900, %gt3A_902 : vector<16xf32>
      %and3A_904 = arith.andi %gt3A_903, %and3A_637 : vector<16xi1>
      %select_n3A_905 = arith.select %and3A_904, %broadcast_in_dim3A_869, %broadcast_in_dim3A_871 : vector<16xi1>, vector<16xi32>
      %swap3A_906 = arith.constant 48 : index
      %swap3A_907 = tpu.vector_load %arg8[%swap3A_906] {strides = array<i32>} : memref<128xi32, #tpu.memory_space<vmem>>, vector<16xi32>,
      tpu.vector_store %arg8[%swap3A_906], %select_n3A_905 {strides = array<i32>} : memref<128xi32, #tpu.memory_space<vmem>>, vector<16xi32>,
      %get3A_908 = arith.constant 64 : index
      %get3A_909 = tpu.vector_load %arg7[%get3A_908] {strides = array<i32>} : memref<128xf32, #tpu.memory_space<vmem>>, vector<16xf32>,
      %gt3A_910 = arith.constant 4.000000e-01 : f32
      %gt3A_911 = vector.broadcast %gt3A_910 : f32 to vector<16xf32>
      %gt3A_912 = arith.cmpf ogt, %get3A_909, %gt3A_911 : vector<16xf32>
      %and3A_913 = arith.andi %gt3A_912, %and3A_686 : vector<16xi1>
      %select_n3A_914 = arith.select %and3A_913, %broadcast_in_dim3A_869, %broadcast_in_dim3A_871 : vector<16xi1>, vector<16xi32>
      %swap3A_915 = arith.constant 64 : index
      %swap3A_916 = tpu.vector_load %arg8[%swap3A_915] {strides = array<i32>} : memref<128xi32, #tpu.memory_space<vmem>>, vector<16xi32>,
      tpu.vector_store %arg8[%swap3A_915], %select_n3A_914 {strides = array<i32>} : memref<128xi32, #tpu.memory_space<vmem>>, vector<16xi32>,
      %get3A_917 = arith.constant 80 : index
      %get3A_918 = tpu.vector_load %arg7[%get3A_917] {strides = array<i32>} : memref<128xf32, #tpu.memory_space<vmem>>, vector<16xf32>,
      %gt3A_919 = arith.constant 4.000000e-01 : f32
      %gt3A_920 = vector.broadcast %gt3A_919 : f32 to vector<16xf32>
      %gt3A_921 = arith.cmpf ogt, %get3A_918, %gt3A_920 : vector<16xf32>
      %and3A_922 = arith.andi %gt3A_921, %and3A_735 : vector<16xi1>
      %select_n3A_923 = arith.select %and3A_922, %broadcast_in_dim3A_869, %broadcast_in_dim3A_871 : vector<16xi1>, vector<16xi32>
      %swap3A_924 = arith.constant 80 : index
      %swap3A_925 = tpu.vector_load %arg8[%swap3A_924] {strides = array<i32>} : memref<128xi32, #tpu.memory_space<vmem>>, vector<16xi32>,
      tpu.vector_store %arg8[%swap3A_924], %select_n3A_923 {strides = array<i32>} : memref<128xi32, #tpu.memory_space<vmem>>, vector<16xi32>,
      %get3A_926 = arith.constant 96 : index
      %get3A_927 = tpu.vector_load %arg7[%get3A_926] {strides = array<i32>} : memref<128xf32, #tpu.memory_space<vmem>>, vector<16xf32>,
      %gt3A_928 = arith.constant 4.000000e-01 : f32
      %gt3A_929 = vector.broadcast %gt3A_928 : f32 to vector<16xf32>
      %gt3A_930 = arith.cmpf ogt, %get3A_927, %gt3A_929 : vector<16xf32>
      %and3A_931 = arith.andi %gt3A_930, %and3A_784 : vector<16xi1>
      %select_n3A_932 = arith.select %and3A_931, %broadcast_in_dim3A_869, %broadcast_in_dim3A_871 : vector<16xi1>, vector<16xi32>
      %swap3A_933 = arith.constant 96 : index
      %swap3A_934 = tpu.vector_load %arg8[%swap3A_933] {strides = array<i32>} : memref<128xi32, #tpu.memory_space<vmem>>, vector<16xi32>,
      tpu.vector_store %arg8[%swap3A_933], %select_n3A_932 {strides = array<i32>} : memref<128xi32, #tpu.memory_space<vmem>>, vector<16xi32>,
      %get3A_935 = arith.constant 112 : index
      %get3A_936 = tpu.vector_load %arg7[%get3A_935] {strides = array<i32>} : memref<128xf32, #tpu.memory_space<vmem>>, vector<16xf32>,
      %gt3A_937 = arith.constant 4.000000e-01 : f32
      %gt3A_938 = vector.broadcast %gt3A_937 : f32 to vector<16xf32>
      %gt3A_939 = arith.cmpf ogt, %get3A_936, %gt3A_938 : vector<16xf32>
      %and3A_940 = arith.andi %gt3A_939, %and3A_833 : vector<16xi1>
      %select_n3A_941 = arith.select %and3A_940, %broadcast_in_dim3A_869, %broadcast_in_dim3A_871 : vector<16xi1>, vector<16xi32>
      %swap3A_942 = arith.constant 112 : index
      %swap3A_943 = tpu.vector_load %arg8[%swap3A_942] {strides = array<i32>} : memref<128xi32, #tpu.memory_space<vmem>>, vector<16xi32>,
      tpu.vector_store %arg8[%swap3A_942], %select_n3A_941 {strides = array<i32>} : memref<128xi32, #tpu.memory_space<vmem>>, vector<16xi32>,
      %mul3A_944 = arith.constant 128 : i32
      %mul3A_945 = arith.muli %add3A_467, %mul3A_944 : i32
      "tpu.region"() ({
        %run_scoped3A = tpu.sem_alloc : memref<!tpu.dma_semaphore, #tpu.memory_space<semaphore_mem>>
        %dma_start3A_946 = tpu.memref_slice %arg4[%mul3A_945] : memref<2176xi32, #tpu.memory_space<hbm>> -> memref<128xi32, #tpu.memory_space<hbm>>
        %dma_start3A_947 = tpu.memref_slice %arg4[%mul3A_945] : memref<2176xi32, #tpu.memory_space<hbm>> -> memref<128xi32, #tpu.memory_space<hbm>>
        tpu.enqueue_dma source(%arg8 : memref<128xi32, #tpu.memory_space<vmem>>) target(%dma_start3A_947 : memref<128xi32, #tpu.memory_space<hbm>>) target_semaphore(%run_scoped3A : memref<!tpu.dma_semaphore, #tpu.memory_space<semaphore_mem>>)
        %dma_wait3A_948 = tpu.memref_slice %arg4[%mul3A_945] : memref<2176xi32, #tpu.memory_space<hbm>> -> memref<128xi32, #tpu.memory_space<hbm>>
        %dma_wait3A_949 = tpu.memref_slice %arg4[%mul3A_945] : memref<2176xi32, #tpu.memory_space<hbm>> -> memref<128xi32, #tpu.memory_space<hbm>>
        tpu.wait_dma2 semaphore(%run_scoped3A : memref<!tpu.dma_semaphore, #tpu.memory_space<semaphore_mem>>) src(%arg8 : memref<128xi32, #tpu.memory_space<vmem>>) dst(%dma_wait3A_949 : memref<128xi32, #tpu.memory_space<hbm>>)
        tpu.yield
      }) : () -> ()
    } else {
    }
    return
  }
}

</mosaic_0001>

<sc_bundles>
// kernel: _run.3.cloned.1.call-start
scs
__scs_entry_jumppad:
0x0: {  	(pc) =	sbr.rel $0x88, $3  }
0x1: {  	(tag) =	ssettag $0x0;
	lr =	simm.s32 $0x1  }
0x2: {  	[smem:$0x3F9F] =	sst lr;
	_ =	strace $0xD0000000  }
0x3: {  	_ = 	snop  }
0x4: {  	_ = 	snop  }
0x5: {  	_ = 	snop  }
0x6: {  	_ = 	snop  }
0x7: {  	_ = 	snop  }
__scs_overlays_trampoline_lowered:
0x8: {  	[smem:$0x3FAE] =	sst s0  }
0x9: {  	[smem:$0x3FAF] =	sst s1  }
0xa: {  	[smem:$0x3FB0] =	sst s2  }
0xb: {  	[smem:$0x3FB1] =	sst s3  }
0xc: {  	[smem:$0x3FB2] =	sst s4  }
0xd: {  	[smem:$0x3FB3] =	sst s5  }
0xe: {  	[smem:$0x3FB4] =	sst s6  }
0xf: {  	[smem:$0x3FB5] =	sst s7  }
0x10: {  	[smem:$0x3FB6] =	sst s8  }
0x11: {  	[smem:$0x3FB7] =	sst s9;
	s0 =	simm.s32 @!p0 $0x0  }
0x12: {  	s1 =	sld [smem:$0x3F9D];
	s0 =	simm.s32 @p0 $0x1  }
0x13: {  	[smem:$0x3FB8] =	sst s0;
	s0 =	simm.s32 @!p1 $0x0  }
0x14: {  	s2 =	sld [smem:$0x3F9C];
	s0 =	simm.s32 @p1 $0x1  }
0x15: {  	[smem:$0x3FB9] =	sst s0;
	s0 =	simm.s32 @!p2 $0x0  }
0x16: {  	s3 =	sld [smem:$0x3FDB];
	s0 =	simm.s32 @p2 $0x1  }
0x17: {  	s4 =	simm.s32 $0x1BF5;
	[smem:$0x3FBB] =	sst s0  }
0x18: {  	s0 =	sld [smem:$0x3F9E];
	_ =	swait.ge [sflag:s4], $0x0  }
0x19: {  	s7 =	sld [smem:$0x3F9F]  }
0x1a: {  	s8 =	sadd.s32 $0xFFFFE003, lr  }
0x1b: {  	s9 =	sadd.s32 $0xFFFFFEF7, lr;
	s5 =	simm.s32 $0xFFFFFFFF;
	p2 =	slt.u32 s8, $0xFFFFF086  }
0x1c: {  	p1 =	slt.u32 s9, $0xF7A;
	s5 =	simm.s32 @!p2 $0x0  }
0x1d: {  	s5 =	simm.s32 @p1 $0x1;
	p0 =	seq.s32 s7, s2  }
0x1e: {  	s7 =	smul.u32 @!p0 $0xF7A, s2;
	p2 =	seq.s32 @!p0 s5, $0x0  }
0x1f: {  	s9 =	smul.u32 $0xF7A, s1;
	s8 =	simm.s32 @!p0 $0x1BF5;
	p2 =	por !p2, p0  }
0x20: {  	[sflag:s8] =	ssyncset.s32 @!p0 $0xFFFFF086;
	s6 =	sadd.s32 @!p0 s3, s7;
	s7 =	simm.s32 @!p0 $0x108  }
0x21: {  	s3 =	sadd.s32 s3, s9;
	s6 =	sadd.s32 @!p0 $0x88, s6;
	s7 =	simm.s32 @p2 $0x1082  }
0x22: {  	[simem:s7], [sflag:s8] =	dma.local @!p0 [hbm:s6], $0xF7A  }
0x23: {  	s9 =	sor.u32 $0xD0000000, s2;
	s6 =	simm.s32 $0x108;
	_ =	swait.ge @!p0 [sflag:s8], $0x0  }
0x24: {  	s3 =	sadd.s32 $0x88, s3;
	s6 =	simm.s32 @!p1 $0x1082;
	[sflag:s4] =	ssyncset.s32 $0xFFFFF086  }
0x25: {  	[simem:s6], [sflag:s4] =	dma.local [hbm:s3], $0xF7A  }
0x26: {  	[smem:$0x3F9F] =	sst s1;
	(tag) =	ssettag s2;
	_ =	strace s9  }
0x27: {  	s1 =	sld [smem:$0x3FAF]  }
0x28: {  	s2 =	sld [smem:$0x3FB0]  }
0x29: {  	s4 =	sld [smem:$0x3FB2]  }
0x2a: {  	p0 =	seq.s32 s5, $0x0;
	s5 =	sld [smem:$0x3FB3]  }
0x2b: {  	s6 =	sld [smem:$0x3FB4]  }
0x2c: {  	s7 =	sld [smem:$0x3FB5]  }
0x2d: {  	s3 =	simm.s32 $0x108;
	s8 =	sld [smem:$0x3FB6]  }
0x2e: {  	s3 =	simm.s32 @!p0 $0x1082;
	s9 =	sld [smem:$0x3FB7]  }
0x2f: {  	lr =	sadd.s32 s0, s3;
	s0 =	sld [smem:$0x3FAE]  }
0x30: {  	s3 =	sld [smem:$0x3FB1]  }
0x31: {  	[smem:$0x3FBA] =	sst s10  }
0x32: {  	s10 =	sld [smem:$0x3FB8];
	_ =	sdelay $0x3  }
0x33: {  	p0 =	seq.s32 s10, $0x1;
	s10 =	sld [smem:$0x3FBA];
	_ =	sdelay $0x3  }
0x34: {  	[smem:$0x3FBA] =	sst s10  }
0x35: {  	s10 =	sld [smem:$0x3FB9];
	_ =	sdelay $0x3  }
0x36: {  	p1 =	seq.s32 s10, $0x1;
	s10 =	sld [smem:$0x3FBA];
	_ =	sdelay $0x3  }
0x37: {  	[smem:$0x3FBA] =	sst s10  }
0x38: {  	s10 =	sld [smem:$0x3FBB]  }
0x39: {  	_ = 	snop;
	(pc) =	sbr.ind lr, $3  }
0x3a: {  	_ = 	snop  }
0x3b: {  	_ = 	snop  }
0x3c: {  	p2 =	seq.s32 s10, $0x1;
	s10 =	sld [smem:$0x3FBA]  }
0x3d: {  	_ =	shalt  }
0x3e: {  	_ =	shalt  }
0x3f: {  	_ =	shalt  }
0x40: {  	_ =	shalt  }
0x41: {  	_ =	shalt  }
0x42: {  	_ =	shalt  }
0x43: {  	_ =	shalt  }
0x44: {  	_ =	shalt  }
0x45: {  	_ =	shalt  }
0x46: {  	_ =	shalt  }
0x47: {  	_ =	shalt  }
0x48: {  	_ =	shalt  }
0x49: {  	_ =	shalt  }
0x4a: {  	_ =	shalt  }
0x4b: {  	_ =	shalt  }
0x4c: {  	_ =	shalt  }
0x4d: {  	_ =	shalt  }
0x4e: {  	_ =	shalt  }
0x4f: {  	_ =	shalt  }
0x50: {  	_ =	shalt  }
0x51: {  	_ =	shalt  }
0x52: {  	_ =	shalt  }
0x53: {  	_ =	shalt  }
0x54: {  	_ =	shalt  }
0x55: {  	_ =	shalt  }
0x56: {  	_ =	shalt  }
0x57: {  	_ =	shalt  }
0x58: {  	_ =	shalt  }
0x59: {  	_ =	shalt  }
0x5a: {  	_ =	shalt  }
0x5b: {  	_ =	shalt  }
0x5c: {  	_ =	shalt  }
0x5d: {  	_ =	shalt  }
0x5e: {  	_ =	shalt  }
0x5f: {  	_ =	shalt  }
0x60: {  	_ =	shalt  }
0x61: {  	_ =	shalt  }
0x62: {  	_ =	shalt  }
0x63: {  	_ =	shalt  }
0x64: {  	_ =	shalt  }
0x65: {  	_ =	shalt  }
0x66: {  	_ =	shalt  }
0x67: {  	_ =	shalt  }
0x68: {  	_ =	shalt  }
0x69: {  	_ =	shalt  }
0x6a: {  	_ =	shalt  }
0x6b: {  	_ =	shalt  }
0x6c: {  	_ =	shalt  }
0x6d: {  	_ =	shalt  }
0x6e: {  	_ =	shalt  }
0x6f: {  	_ =	shalt  }
0x70: {  	_ =	shalt  }
0x71: {  	_ =	shalt  }
0x72: {  	_ =	shalt  }
0x73: {  	_ =	shalt  }
0x74: {  	_ =	shalt  }
0x75: {  	_ =	shalt  }
0x76: {  	_ =	shalt  }
0x77: {  	_ =	shalt  }
0x78: {  	_ =	shalt  }
0x79: {  	_ =	shalt  }
0x7a: {  	_ =	shalt  }
0x7b: {  	_ =	shalt  }
0x7c: {  	_ =	shalt  }
0x7d: {  	_ =	shalt  }
0x7e: {  	_ =	shalt  }
0x7f: {  	_ =	shalt  }
0x80: {  	_ =	shalt  }
0x81: {  	_ =	shalt  }
0x82: {  	_ =	shalt  }
0x83: {  	_ =	shalt  }
0x84: {  	_ =	shalt  }
0x85: {  	_ =	shalt  }
0x86: {  	_ =	shalt  }
0x87: {  	_ =	shalt  }
.Lfunc_end0:
.L_simem_size_0:
called_computation_lowered:
.L_overlay_start_0:
0x88: {  	s0 =	sld [smem:$0x3FD9]  }
0x89: {  	s1 =	sld [smem:$0x3FFE];
	_ =	sdelay $0x3  }
0x8a: {  	s0 =	sadd.s32 s1, s0  }
0x8b: {  	[smem:$0x3FC6] =	sst s0  }
0x8c: {  	_ = 	snop  }
0x8d: {  	s0 =	sld [smem:$0x3FC9]  }
0x8e: {  	s16 =	sld [smem:$0x3FC8];
	(tm) =	ssettm $0x1  }
0x8f: {  	s2 =	sld [smem:$0x3FFB];
	_ =	sdelay $0x3  }
0x90: {  	_ =	strace s2  }
0x91: {  	s2 =	sld [smem:$0x3FFC];
	_ =	sdelay $0x3  }
0x92: {  	_ =	strace s2  }
0x93: {  	s2 =	sld [smem:$0x3FFD];
	_ =	sdelay $0x3  }
0x94: {  	_ =	strace s2  }
0x95: {  	_ =	strace $0x8FFFFFFF  }
0x96: {  	s17 =	sld [smem:$0x3FDB];
	_ =	sdelay $0x1  }
0x97: {  	s3 =	simm.s32 $_scs_section_size  }
0x98: {  	s4 =	simm.s32 $_size__tile_overlayer_lowered;
	s5 =	simm.s32 $_tile_overlayer_lowered  }
0x99: {  	s20 =	simm.s32 $0x1BFF;
	s19 =	sshll.u32 s5, $0x1;
	s2 =	sadd.s32 s3, s17  }
0x9a: {  	s6 =	simm.s32 $0x0;
	s18 =	sshll.u32 s4, $0x1;
	s4 =	sadd.s32 s19, s2  }
0x9b: {  	[timem:s6], [sflag:s20] =	dma.local [hbm:s4], s18  }
0x9c: {  	_ =	swait.ge [sflag:s20], s18  }
0x9d: {  	s3 =	ssub.s32 $0x0, s18;
	[sflag:s20] =	ssyncset.done $0x0  }
0x9e: {  	[sflag:s20] =	ssyncadd.s32 s3;
	_ =	sdelay $0x1  }
0x9f: {  	s21 =	simm.s32 $0x1B8B  }
0xa0: {  	_ =	swait.ge [sflag:s21], $0x1  }
0xa1: {  	[sflag:s21] =	ssyncset.done $0x0  }
0xa2: {  	s23 =	simm.s32 $0x1B8E;
	s22 =	sld [smem:$0x3FFE];
	[sflag:s21] =	ssyncadd.s32 $0xFFFFFFFF  }
0xa3: {  	s24 =	simm.s32 $execute0_lowered;
	[smem:$0x3FD2] =	sst s23  }
0xa4: {  	s4 =	sshll.u32 s24, $0x1;
	_ =	strace $0x80000046;
	[dreg:$0x1] =	wrdreg $0xFFFFFFFF  }
0xa5: {  	s25 =	simm.s32 $_size_execute0_lowered;
	s2 =	sadd.s32 s2, s4;
	[dreg:$0x0] =	wrdreg $0x0  }
0xa6: {  	s4 =	sshll.u32 s25, $0x1;
	[dreg:$0x2] =	wrdreg s2  }
0xa7: {  	[dreg:$0x3] =	wrdreg s4  }
0xa8: {  	[dreg:$0x4] =	wrdreg $0xC0  }
0xa9: {  	_ =	task [dreg:s6], $0x5FFFF  }
0xaa: {  	[dreg:$0x1] =	wrdreg $0xFFFFFFFF  }
0xab: {  	[dreg:$0x0] =	wrdreg $0x60  }
0xac: {  	[dreg:$0x2] =	wrdreg s0  }
0xad: {  	[dreg:$0x3] =	wrdreg s16  }
0xae: {  	[dreg:$0x4] =	wrdreg s22  }
0xaf: {  	[dreg:$0x5] =	wrdreg $0x9  }
0xb0: {  	_ =	task.clear_ibuf [dreg:s6], $0x6FFFF;
	_ =	strace $0x90000046  }
0xb1: {  	s26 =	simm.s32 $0x9;
	_ =	strace $0x80000048  }
0xb2: {  	_ =	swait.ge [sflag:s26], $0x1  }
0xb3: {  	[sflag:s26] =	ssyncadd.s32 $0xFFFFFFFF  }
0xb4: {  	_ =	strace $0x90000048  }
0xb5: {  	_ =	sfence  }
0xb6: {  	s28 =	sld [smem:$0x0];
	_ =	sdelay $0x1  }
0xb7: {  	s29 =	srdreg.scid  }
0xb8: {  	s30 =	sshll.u32 s29, $0xD;
	s31 =	sshrl.u32 s29, $0x2  }
0xb9: {  	s1 =	sand.u32 $0x1, s29;
	s2 =	sand.u32 $0x4000, s30;
	s0 =	sadd.s32 s31, s28  }
0xba: {  	s1 =	sor.u32 s2, s1;
	s0 =	sshll.u32 s0, $0x11  }
0xbb: {  	s0 =	sor.u32 s0, s1  }
0xbc: {  	s0 =	sadd.s32 $0x8F2B, s0  }
0xbd: {  	[sflag:s0] =	ssyncadd.remote.s32 $0x1  }
0xbe: {  	_ =	sfence.sel $0xFFFF  }
0xbf: {  	[dreg:$0x0] =	wrdreg $0xFFFFFFFF;
	(pc) =	sbr.abs _section_cstart, $3  }
0xc0: {  	[dreg:$0x1] =	wrdreg $0xFFFFFFFF  }
0xc1: {  	_ =	task.clear_ibuf [dreg:s6], $0x2FFFF;
	_ =	strace $0x9FFFFFFF  }
0xc2: {  	(tm) =	ssettm $0x7FFFFFFF  }
0xc3: {  	_ =	shalt  }
tec
execute0_lowered:
.L_overlay_start_1:
0x0: {  	(tag) =	ssettag $0x1  }
0x1: {  	s4 =	rddreg [dreg:$0x0]  }
0x2: {  	s3 =	rddreg [dreg:$0x1]  }
0x3: {  	s10 =	rddreg [dreg:$0x2];
	s1 =	simm.s32 $0x0;
	s5 =	stileid.u32  }
0x4: {  	[smem:$0x7FF] =	sst s1;
	s2 =	sshll.u32 s5, $0x5  }
0x5: {  	s0 =	rddreg [dreg:$0x3];
	_ =	strace $0x80000047;
	s2 =	sadd.s32 s4, s2  }
0x6: {  	[tilespmem:s1], [sflag:$0x2] =	stream.linear.gather [hbm4b:s2+s1], $0x100, $0x38;
	[tilespmem:$0x280] =	vst v63  }
0x7: {  	s2 =	simm.s32 $0x2  }
0x8: {  	_ =	swait.ge [sflag:s2], $0x100  }
0x9: {  	[sflag:s2] =	ssyncset.done $0x0  }
0xa: {  	[sflag:s2] =	ssyncadd.s32 $0xFFFFFF00  }
0xb: {  	v0 =	vld [tilespmem:$0x80]  }
0xc: {  	v1 =	vld [tilespmem:$0x0]  }
0xd: {  	v2 =	vld [tilespmem:$0x90]  }
0xe: {  	v5 =	vld [tilespmem:$0x10]  }
0xf: {  	v9 =	vld [tilespmem:$0xA0]  }
0x10: {  	v6 =	vld [tilespmem:$0x20]  }
0x11: {  	v10 =	vld [tilespmem:$0xB0]  }
0x12: {  	v11 =	vld [tilespmem:$0x30]  }
0x13: {  	v12 =	vld [tilespmem:$0xC0]  }
0x14: {  	v13 =	vld [tilespmem:$0x40]  }
0x15: {  	v14 =	vld [tilespmem:$0xD0]  }
0x16: {  	v15 =	vld [tilespmem:$0x50];
	vm0 =	vgt.s32 v0, $0x0  }
0x17: {  	v50 =	vld [tilespmem:$0xF0];
	v4 =	vor.u32 v1, v0;
	vm1 =	vgt.s32 v1, $0x0;
	vm2 =	vgt.s32 v2, $0x0  }
0x18: {  	v23 =	vld [tilespmem:$0x70];
	vm3 =	vgt.s32 v5, $0x0;
	v7 =	vor.u32 v5, v2;
	vm4 =	vlt.s32 v5, $0x60  }
0x19: {  	vm5 =	vlt.s32 v2, $0x60;
	vm6 =	vgt.s32 v9, $0x0;
	vm7 =	vgt.s32 v6, $0x0  }
0x1a: {  	vm8 =	vgt.s32 v10, $0x0;
	vm15 =	vgt.s32 v11, $0x0;
	vm12 =	vgt.s32 v12, $0x0  }
0x1b: {  	s6 =	smul.u32 $0x60, s5;
	vm13 =	vgt.s32 v13, $0x0;
	vm9 =	vgt.s32 v14, $0x0;
	v3 =	vnsel vm0, $0x0, v0  }
0x1c: {  	vm14 =	vgt.s32 v15, $0x0;
	vm10 =	vlt.s32 v11, $0x60;
	v3 =	vmin.u32 v3, $0x5F  }
0x1d: {  	v59 =	vor.u32 v23, v50;
	vm0 =	vgt.s32 v4, $0xFFFFFFFF;
	v3 =	vadd.s32 s6, v3  }
0x1e: {  	v4 =	vnsel vm1, $0x0, v1;
	vm1 =	vlt.s32 v1, $0x60;
	v3 =	vmul.u32 $0x60, v3  }
0x1f: {  	v17 =	vnsel vm13, $0x0, v13;
	v1 =	vmin.u32 v4, $0x5F;
	v4 =	vnsel vm2, $0x0, v2  }
0x20: {  	vm2 =	vlt.s32 v0, $0x60;
	v0 =	vadd.s32 v1, v3;
	v1 =	vmin.u32 v4, $0x5F  }
0x21: {  	v18 =	vnsel vm9, $0x0, v14;
	v51 =	vnsel vm14, $0x0, v15;
	v1 =	vadd.s32 s6, v1  }
0x22: {  	vm13 =	vgt.s32 v50, $0x0;
	v4 =	vnsel vm3, $0x0, v5;
	v1 =	vmul.u32 $0x60, v1  }
0x23: {  	vm14 =	vgt.s32 v23, $0x0;
	v2 =	vor.u32 v6, v9;
	v4 =	vmin.u32 v4, $0x5F  }
0x24: {  	v49 =	vmin.u32 v18, $0x5F;
	v3 =	vlaneseq.u32;
	v1 =	vadd.s32 v4, v1  }
0x25: {  	v5 =	vnsel vm6, $0x0, v9;
	v4 =	vor.u32 $0x10, v3;
	v1 =	vshll.u32 v1, $0x7  }
0x26: {  	vm3 =	vgt.s32 v7, $0xFFFFFFFF;
	v7 =	vor.u32 v4, v1;
	v1 =	vmin.u32 v5, $0x5F  }
0x27: {  	v24 =	vnsel vm13, $0x0, v50;
	vm6 =	vgt.s32 v2, $0xFFFFFFFF;
	v1 =	vadd.s32 s6, v1  }
0x28: {  	v2 =	vnsel vm7, $0x0, v6;
	v5 =	vnsel vm8, $0x0, v10;
	v1 =	vmul.u32 $0x60, v1  }
0x29: {  	v16 =	vld [tilespmem:$0xE0];
	v57 =	vnsel vm14, $0x0, v23;
	v2 =	vmin.u32 v2, $0x5F;
	v5 =	vmin.u32 v5, $0x5F  }
0x2a: {  	vm14 =	vlt.s32 v13, $0x60;
	v1 =	vadd.s32 v2, v1;
	v2 =	vadd.s32 s6, v5  }
0x2b: {  	vm7 =	vlt.s32 v6, $0x60;
	v6 =	vnsel vm15, $0x0, v11;
	v2 =	vmul.u32 $0x60, v2  }
0x2c: {  	v55 =	vmin.u32 v24, $0x5F;
	v58 =	vmin.u32 v57, $0x5F;
	v6 =	vmin.u32 v6, $0x5F  }
0x2d: {  	v56 =	vadd.s32 s6, v55;
	v2 =	vadd.s32 v6, v2;
	v6 =	vnsel vm12, $0x0, v12  }
0x2e: {  	v19 =	vld [tilespmem:$0x60];
	vm15 =	vgt.s32 v16, $0x0;
	v0 =	vshll.u32 v0, $0x7;
	v6 =	vmin.u32 v6, $0x5F  }
0x2f: {  	v22 =	vnsel vm15, $0x0, v16;
	v0 =	vor.u32 v3, v0;
	v6 =	vadd.s32 s6, v6  }
0x30: {  	v8 =	vshll.u32 v2, $0x7;
	v2 =	vor.u32 $0x30, v3;
	v6 =	vmul.u32 $0x60, v6  }
0x31: {  	v52 =	vmin.u32 v22, $0x5F;
	v20 =	vor.u32 v2, v8;
	v8 =	vmin.u32 v17, $0x5F  }
0x32: {  	v5 =	vshll.u32 v1, $0x7;
	v6 =	vadd.s32 v8, v6;
	v8 =	vadd.s32 s6, v49  }
0x33: {  	v1 =	vor.u32 $0x20, v3;
	vm12 =	vgt.s32 v19, $0x0;
	v21 =	vmul.u32 $0x60, v8  }
0x34: {  	v5 =	vor.u32 v1, v5;
	v53 =	vnsel vm12, $0x0, v19;
	v17 =	vmin.u32 v51, $0x5F  }
0x35: {  	[tilespmem:$0x100] =	vst v0;
	v54 =	vmin.u32 v53, $0x5F;
	v17 =	vadd.s32 v17, v21;
	v21 =	vadd.s32 s6, v52  }
0x36: {  	[tilespmem:$0x110] =	vst v7;
	v6 =	vshll.u32 v6, $0x7;
	v8 =	vor.u32 $0x40, v3;
	v21 =	vmul.u32 $0x60, v21  }
0x37: {  	[tilespmem:$0x120] =	vst v5;
	v6 =	vor.u32 v8, v6;
	v0 =	vshll.u32 v17, $0x7;
	v17 =	vmul.u32 $0x60, v56  }
0x38: {  	v5 =	vor.u32 $0x50, v3;
	[tilespmem:$0x140] =	vst v6;
	v6 =	vor.u32 $0x60, v3;
	v7 =	vadd.s32 v54, v21  }
0x39: {  	[tilespmem:$0x130] =	vst v20;
	v0 =	vor.u32 v5, v0;
	v17 =	vadd.s32 v58, v17;
	v7 =	vshll.u32 v7, $0x7  }
0x3a: {  	[tilespmem:$0x150] =	vst v0;
	v17 =	vshll.u32 v17, $0x7;
	v0 =	vor.u32 v6, v7;
	v7 =	vor.u32 $0x70, v3  }
0x3b: {  	s7 =	simm.s32 $0x80;
	vm1 =	vmand vm1, vm2;
	vm15 =	vlt.s32 v9, $0x60;
	[tilespmem:$0x160] =	vst v0;
	v9 =	vor.u32 v7, v17  }
0x3c: {  	s8 =	simm.s32 $0x100;
	s9 =	simm.s32 $0x180;
	vm1 =	vmand vm1, vm0;
	vm0 =	vlt.s32 v10, $0x60;
	vm13 =	vmand vm7, vm15;
	s6 =	simm.s32 $0x1;
	[tilespmem:$0x170] =	vst v9  }
0x3d: {  	vm0 =	vmand vm10, vm0;
	vm15 =	vlt.s32 v12, $0x60;
	vm2 =	vmand vm13, vm6;
	[tilespmem:s9], [sflag:$0x1] =	stream.indirect.gather [hbm4b:s3+s7], $0x1, s8, s7, $0xb8;
	[tilespmem:$0x280] =	vst v63  }
0x3e: {  	vm11 =	vmand vm14, vm15;
	vm13 =	vlt.s32 v14, $0x60;
	v0 =	vor.u32 v11, v10;
	_ =	swait.ge [sflag:s6], $0x80  }
0x3f: {  	vm14 =	vlt.s32 v19, $0x60;
	vm9 =	vgt.s32 v0, $0xFFFFFFFF;
	v0 =	vor.u32 v13, v12;
	[sflag:s6] =	ssyncset.done $0x0  }
0x40: {  	vm12 =	vmand vm4, vm5;
	vm10 =	vgt.s32 v0, $0xFFFFFFFF;
	v0 =	vor.u32 v15, v14;
	[sflag:s6] =	ssyncadd.s32 $0xFFFFFF80  }
0x41: {  	vm4 =	vmand vm12, vm3;
	vm12 =	vlt.s32 v15, $0x60;
	vm5 =	vgt.s32 v0, $0xFFFFFFFF;
	v0 =	vld [tilespmem:$0x180]  }
0x42: {  	vm6 =	vmand vm12, vm13;
	vm12 =	vlt.s32 v23, $0x60;
	vm13 =	vlt.s32 v50, $0x60;
	v9 =	vld [tilespmem:$0x190]  }
0x43: {  	vm15 =	vlt.s32 v16, $0x60;
	vm7 =	vmand vm12, vm13;
	v10 =	vor.u32 v19, v16;
	v11 =	vld [tilespmem:$0x1A0]  }
0x44: {  	vm3 =	vmand vm0, vm9;
	vm0 =	vmand vm11, vm10;
	vm5 =	vmand vm6, vm5;
	v60 =	vld [tilespmem:$0x1B0]  }
0x45: {  	vm6 =	vmand vm14, vm15;
	vm14 =	vgt.s32 v10, $0xFFFFFFFF;
	vm15 =	vgt.s32 v59, $0xFFFFFFFF;
	v10 =	vld [tilespmem:$0x1C0]  }
0x46: {  	vm9 =	vmand vm6, vm14;
	vm6 =	vmand vm7, vm15;
	v61 =	vld [tilespmem:$0x1D0];
	vm11 =	vgt.f32 v0, $4.000000060e-01  }
0x47: {  	v0 =	vimm.s32 $0x0;
	vm12 =	vgt.f32 v9, $4.000000060e-01;
	v9 =	vld [tilespmem:$0x1E0];
	vm1 =	vmand vm1, vm11  }
0x48: {  	vm14 =	vgt.f32 v11, $4.000000060e-01;
	v11 =	vld [tilespmem:$0x1F0];
	vm13 =	vmand vm4, vm12;
	v62 =	vsel vm1, $0x1, v0  }
0x49: {  	vm15 =	vgt.f32 v60, $4.000000060e-01;
	vm2 =	vmand vm2, vm14;
	v63 =	vsel vm13, $0x1, v0;
	[tilespmem:$0x200] =	vst v62  }
0x4a: {  	vm8 =	vgt.f32 v10, $4.000000060e-01;
	vm7 =	vmand vm3, vm15;
	v10 =	vsel vm2, $0x1, v0;
	[tilespmem:$0x210] =	vst v63  }
0x4b: {  	vm10 =	vgt.f32 v61, $4.000000060e-01;
	vm0 =	vmand vm0, vm8;
	[tilespmem:$0x220] =	vst v10;
	v10 =	vsel vm7, $0x1, v0  }
0x4c: {  	vm12 =	vmand vm5, vm10;
	[tilespmem:$0x230] =	vst v10;
	vm11 =	vgt.f32 v9, $4.000000060e-01;
	v9 =	vsel vm0, $0x1, v0  }
0x4d: {  	vm13 =	vgt.f32 v11, $4.000000060e-01;
	[tilespmem:$0x240] =	vst v9;
	v9 =	vsel vm12, $0x1, v0;
	vm14 =	vmand vm9, vm11  }
0x4e: {  	vm15 =	vmand vm6, vm13;
	[tilespmem:$0x250] =	vst v9;
	v9 =	vsel vm14, $0x1, v0  }
0x4f: {  	s10 =	sadd.s32 $0x400, s10;
	s11 =	sshll.u32 s5, $0x4;
	[tilespmem:$0x260] =	vst v9;
	v9 =	vsel vm15, $0x1, v0  }
0x50: {  	s12 =	sadd.s32 s10, s11;
	s11 =	simm.s32 $0x200;
	[tilespmem:$0x270] =	vst v9  }
0x51: {  	[hbm4b:s12+s1] =	stream.linear.scatter [tilespmem:s11], [sflag:$0x2], $0x80, $0x38;
	[tilespmem:$0x280] =	vst v63  }
0x52: {  	_ =	swait.ge [sflag:s2], $0x80  }
0x53: {  	[sflag:s2] =	ssyncset.done $0x0  }
0x54: {  	p0 =	sne.s32 s5, $0x0;
	[sflag:s2] =	ssyncadd.s32 $0xFFFFFF80  }
0x55: {  	_ =	sfence.sel @p0 $0x180000  }
0x56: {  	[bflag:$0x0] =	sbarrier.arrive @p0 $0xFFFF  }
0x57: {  	_ =	strace @p0 $0x90000047  }
0x58: {  	[bflag:$0x2] =	sbarrier.arrive @p0 $0xFFFF  }
0x59: {  	_ =	shalt @p0  }
.LBB2_1:
0x5a: {  	s4 =	sadd.s32 $0x200, s4  }
0x5b: {  	[tilespmem:s1], [sflag:$0x2] =	stream.linear.gather [hbm4b:s4+s1], $0x100, $0x38;
	[tilespmem:$0x280] =	vst v63  }
0x5c: {  	_ =	swait.ge [sflag:s2], $0x100  }
0x5d: {  	[sflag:s2] =	ssyncset.done $0x0  }
0x5e: {  	[sflag:s2] =	ssyncadd.s32 $0xFFFFFF00  }
0x5f: {  	v9 =	vld [tilespmem:$0x0]  }
0x60: {  	v10 =	vld [tilespmem:$0x80]  }
0x61: {  	v11 =	vld [tilespmem:$0x90]  }
0x62: {  	v13 =	vld [tilespmem:$0x10]  }
0x63: {  	v14 =	vld [tilespmem:$0xA0]  }
0x64: {  	v15 =	vld [tilespmem:$0x20]  }
0x65: {  	v60 =	vld [tilespmem:$0xB0]  }
0x66: {  	v61 =	vld [tilespmem:$0x30]  }
0x67: {  	v63 =	vld [tilespmem:$0xC0]  }
0x68: {  	v17 =	vld [tilespmem:$0x40];
	v12 =	vor.u32 v9, v10  }
0x69: {  	vm1 =	vgt.s32 v10, $0x0;
	vm2 =	vgt.s32 v9, $0x0;
	vm3 =	vgt.s32 v11, $0x0  }
0x6a: {  	vm13 =	vgt.s32 v13, $0x0;
	v16 =	vor.u32 v13, v11;
	vm4 =	vlt.s32 v13, $0x60  }
0x6b: {  	vm6 =	vgt.s32 v14, $0x0;
	vm5 =	vlt.s32 v11, $0x60;
	vm14 =	vgt.s32 v15, $0x0  }
0x6c: {  	v22 =	vor.u32 v15, v14;
	vm8 =	vgt.s32 v60, $0x0;
	vm7 =	vlt.s32 v15, $0x60  }
0x6d: {  	v18 =	vld [tilespmem:$0x50];
	vm15 =	vgt.s32 v61, $0x0;
	vm9 =	vgt.s32 v63, $0x0;
	vm12 =	vgt.s32 v17, $0x0  }
0x6e: {  	v19 =	vld [tilespmem:$0xD0];
	v43 =	vor.u32 v61, v60;
	vm0 =	vgt.s32 v12, $0xFFFFFFFF;
	v56 =	vnsel vm1, $0x0, v10  }
0x6f: {  	v20 =	vld [tilespmem:$0x60];
	vm1 =	vlt.s32 v9, $0x60;
	v9 =	vnsel vm2, $0x0, v9;
	vm2 =	vlt.s32 v10, $0x60  }
0x70: {  	v57 =	vnsel vm3, $0x0, v11;
	v58 =	vnsel vm13, $0x0, v13;
	vm3 =	vgt.s32 v16, $0xFFFFFFFF  }
0x71: {  	v62 =	vnsel vm6, $0x0, v14;
	v23 =	vnsel vm14, $0x0, v15;
	vm6 =	vgt.s32 v22, $0xFFFFFFFF  }
0x72: {  	v25 =	vnsel vm8, $0x0, v60;
	v26 =	vnsel vm15, $0x0, v61;
	v27 =	vnsel vm9, $0x0, v63  }
0x73: {  	v28 =	vnsel vm12, $0x0, v17;
	vm13 =	vgt.s32 v18, $0x0;
	vm14 =	vgt.s32 v19, $0x0  }
0x74: {  	v29 =	vld [tilespmem:$0xF0];
	vm15 =	vgt.s32 v20, $0x0;
	v12 =	vmin.u32 v56, $0x5F;
	v9 =	vmin.u32 v9, $0x5F  }
0x75: {  	v10 =	vmin.u32 v57, $0x5F;
	v21 =	vmin.u32 v62, $0x5F;
	v24 =	vmin.u32 v23, $0x5F  }
0x76: {  	v31 =	vld [tilespmem:$0x70];
	v11 =	vmin.u32 v25, $0x5F;
	v15 =	vmin.u32 v26, $0x5F;
	v12 =	vmul.u32 $0x60, v12  }
0x77: {  	v16 =	vmin.u32 v27, $0x5F;
	v32 =	vnsel vm13, $0x0, v18;
	v33 =	vnsel vm14, $0x0, v19  }
0x78: {  	v22 =	vnsel vm15, $0x0, v20;
	v10 =	vmul.u32 $0x60, v10;
	v9 =	vadd.s32 v9, v12  }
0x79: {  	vm13 =	vgt.s32 v29, $0x0;
	v12 =	vmin.u32 v58, $0x5F;
	v9 =	vadd.s32 $0x24000, v9  }
0x7a: {  	v11 =	vmul.u32 $0x60, v11;
	v59 =	vadd.s32 v12, v10;
	v9 =	vshll.u32 v9, $0x7  }
0x7b: {  	vm14 =	vgt.s32 v31, $0x0;
	v3 =	vor.u32 v3, v9;
	v9 =	vshll.u32 v59, $0x7  }
0x7c: {  	v16 =	vmul.u32 $0x60, v16;
	v11 =	vadd.s32 v15, v11;
	v9 =	vadd.s32 $0x1200000, v9  }
0x7d: {  	v15 =	vmin.u32 v28, $0x5F;
	v4 =	vor.u32 v4, v9;
	v9 =	vmul.u32 $0x60, v21;
	v21 =	vld [tilespmem:$0xE0]  }
0x7e: {  	v35 =	vnsel vm14, $0x0, v31;
	v11 =	vshll.u32 v11, $0x7;
	v15 =	vadd.s32 v15, v16  }
0x7f: {  	v38 =	vmin.u32 v35, $0x5F;
	v11 =	vadd.s32 $0x1200000, v11;
	v30 =	vshll.u32 v15, $0x7  }
0x80: {  	v15 =	vmin.u32 v33, $0x5F;
	v9 =	vadd.s32 v24, v9;
	v24 =	vnsel vm13, $0x0, v29  }
0x81: {  	v2 =	vor.u32 v2, v11;
	v9 =	vshll.u32 v9, $0x7;
	v24 =	vmin.u32 v24, $0x5F  }
0x82: {  	v9 =	vadd.s32 $0x1200000, v9;
	v24 =	vmul.u32 $0x60, v24;
	vm12 =	vgt.s32 v21, $0x0  }
0x83: {  	v1 =	vor.u32 v1, v9;
	v9 =	vadd.s32 $0x1200000, v30;
	v23 =	vnsel vm12, $0x0, v21  }
0x84: {  	v15 =	vmul.u32 $0x60, v15;
	[tilespmem:$0x100] =	vst v3;
	v8 =	vor.u32 v8, v9;
	v23 =	vmin.u32 v23, $0x5F  }
0x85: {  	[tilespmem:$0x130] =	vst v2;
	v9 =	vmin.u32 v32, $0x5F;
	v40 =	vadd.s32 v38, v24;
	v34 =	vmul.u32 $0x60, v23  }
0x86: {  	v37 =	vmin.u32 v22, $0x5F;
	[tilespmem:$0x110] =	vst v4;
	v36 =	vadd.s32 v9, v15;
	v3 =	vshll.u32 v40, $0x7  }
0x87: {  	[tilespmem:$0x120] =	vst v1;
	v4 =	vshll.u32 v36, $0x7;
	v3 =	vadd.s32 $0x1200000, v3;
	v39 =	vadd.s32 v37, v34  }
0x88: {  	[tilespmem:$0x140] =	vst v8;
	v41 =	vadd.s32 $0x1200000, v4;
	v42 =	vor.u32 v7, v3;
	v1 =	vshll.u32 v39, $0x7  }
0x89: {  	vm11 =	vlt.s32 v61, $0x60;
	v2 =	vor.u32 v5, v41;
	[tilespmem:$0x170] =	vst v42;
	v1 =	vadd.s32 $0x1200000, v1  }
0x8a: {  	v44 =	vor.u32 v17, v63;
	v45 =	vor.u32 v18, v19;
	[tilespmem:$0x150] =	vst v2;
	v1 =	vor.u32 v6, v1  }
0x8b: {  	v51 =	vor.u32 v31, v29;
	vm15 =	vlt.s32 v14, $0x60;
	vm1 =	vmand vm1, vm2;
	[tilespmem:$0x160] =	vst v1  }
0x8c: {  	vm9 =	vmand vm4, vm5;
	vm10 =	vmand vm7, vm15;
	vm4 =	vmand vm1, vm0;
	[tilespmem:s9], [sflag:$0x1] =	stream.indirect.gather [hbm4b:s3+s7], $0x1, s8, s7, $0xb8;
	[tilespmem:$0x280] =	vst v63  }
0x8d: {  	vm1 =	vmand vm9, vm3;
	vm14 =	vlt.s32 v17, $0x60;
	vm15 =	vlt.s32 v63, $0x60;
	_ =	swait.ge [sflag:s6], $0x80  }
0x8e: {  	vm3 =	vgt.s32 v44, $0xFFFFFFFF;
	vm0 =	vmand vm10, vm6;
	vm5 =	vmand vm14, vm15;
	[sflag:s6] =	ssyncset.done $0x0  }
0x8f: {  	vm14 =	vlt.s32 v20, $0x60;
	vm10 =	vmand vm5, vm3;
	vm13 =	vgt.s32 v43, $0xFFFFFFFF;
	[sflag:s6] =	ssyncadd.s32 $0xFFFFFF80  }
0x90: {  	v47 =	vor.u32 v20, v21;
	vm15 =	vlt.s32 v21, $0x60;
	vm12 =	vlt.s32 v60, $0x60;
	v46 =	vld [tilespmem:$0x180]  }
0x91: {  	vm7 =	vmand vm14, vm15;
	vm14 =	vlt.s32 v31, $0x60;
	vm2 =	vmand vm11, vm12;
	v48 =	vld [tilespmem:$0x190]  }
0x92: {  	vm12 =	vlt.s32 v18, $0x60;
	vm2 =	vmand vm2, vm13;
	vm13 =	vlt.s32 v19, $0x60;
	v49 =	vld [tilespmem:$0x1A0]  }
0x93: {  	vm6 =	vmand vm12, vm13;
	vm12 =	vgt.s32 v45, $0xFFFFFFFF;
	vm13 =	vgt.s32 v47, $0xFFFFFFFF;
	v52 =	vld [tilespmem:$0x1C0]  }
0x94: {  	vm15 =	vlt.s32 v29, $0x60;
	vm5 =	vmand vm6, vm12;
	vm3 =	vmand vm7, vm13;
	v54 =	vld [tilespmem:$0x1E0]  }
0x95: {  	vm12 =	vgt.s32 v51, $0xFFFFFFFF;
	vm6 =	vmand vm14, vm15;
	v53 =	vld [tilespmem:$0x1D0];
	vm13 =	vgt.f32 v46, $4.000000060e-01  }
0x96: {  	vm6 =	vmand vm6, vm12;
	v56 =	vld [tilespmem:$0x1F0];
	vm14 =	vgt.f32 v48, $4.000000060e-01;
	vm4 =	vmand vm4, vm13  }
0x97: {  	v50 =	vld [tilespmem:$0x1B0];
	vm15 =	vgt.f32 v49, $4.000000060e-01;
	vm1 =	vmand vm1, vm14;
	v55 =	vsel vm4, $0x1, v0  }
0x98: {  	vm8 =	vgt.f32 v52, $4.000000060e-01;
	vm0 =	vmand vm0, vm15;
	v57 =	vsel vm1, $0x1, v0;
	[tilespmem:$0x200] =	vst v55  }
0x99: {  	vm12 =	vgt.f32 v54, $4.000000060e-01;
	vm9 =	vmand vm10, vm8;
	v58 =	vsel vm0, $0x1, v0;
	[tilespmem:$0x210] =	vst v57  }
0x9a: {  	vm10 =	vgt.f32 v53, $4.000000060e-01;
	vm13 =	vmand vm3, vm12;
	v60 =	vsel vm9, $0x1, v0;
	[tilespmem:$0x220] =	vst v58  }
0x9b: {  	vm14 =	vgt.f32 v56, $4.000000060e-01;
	vm11 =	vmand vm5, vm10;
	v62 =	vsel vm13, $0x1, v0;
	[tilespmem:$0x240] =	vst v60  }
0x9c: {  	vm4 =	vgt.f32 v50, $4.000000060e-01;
	vm15 =	vmand vm6, vm14;
	v61 =	vsel vm11, $0x1, v0;
	[tilespmem:$0x260] =	vst v62  }
0x9d: {  	vm7 =	vmand vm2, vm4;
	v63 =	vsel vm15, $0x1, v0;
	[tilespmem:$0x250] =	vst v61  }
0x9e: {  	v59 =	vsel vm7, $0x1, v0;
	[tilespmem:$0x270] =	vst v63  }
0x9f: {  	s31 =	sadd.s32 $0x100, s10;
	[tilespmem:$0x230] =	vst v59  }
0xa0: {  	[hbm4b:s31+s1] =	stream.linear.scatter [tilespmem:s11], [sflag:$0x2], $0x80, $0x38;
	[tilespmem:$0x280] =	vst v63  }
0xa1: {  	_ =	swait.ge [sflag:s2], $0x80  }
0xa2: {  	[sflag:s2] =	ssyncset.done $0x0  }
0xa3: {  	[sflag:s2] =	ssyncadd.s32 $0xFFFFFF80  }
0xa4: {  	_ =	sfence.sel $0x180000  }
0xa5: {  	[bflag:$0x0] =	sbarrier.arrive $0xFFFF  }
0xa6: {  	_ =	strace $0x90000047  }
0xa7: {  	s0 =	sadd.s32 $0x100000, s0;
	[bflag:$0x2] =	sbarrier.arrive $0xFFFF  }
0xa8: {  	[sflag:s0] =	ssyncadd.tile.s32 $0x1;
	_ =	shalt  }
.Lfunc_end2:
_tile_overlayer_lowered:
.L_overlay_start_2:
0xa9: {  	(tag) =	ssettag $0x2  }
0xaa: {  	s0 =	rddreg [dreg:$0x0];
	s2 =	stileid.u32  }
0xab: {  	s1 =	rddreg [dreg:$0x1];
	p0 =	sne.s32 s2, $0x0  }
0xac: {  	s3 =	rddreg [dreg:$0x2];
	[bflag:$0x3] =	sbarrier.arrive $0xFFFF;
	s2 =	simm.s32 @!p0 $0x1C02  }
0xad: {  	[timem:s3], [sflag:s2] =	dma.local @!p0 [hbm:s0], s1  }
0xae: {  	s0 =	simm.s32 @!p0 $0x2  }
0xaf: {  	_ =	swait.ge @!p0 [sflag:s0], s1  }
0xb0: {  	s1 =	ssub.s32 @!p0 $0x0, s1;
	[sflag:s0] =	ssyncset.done @!p0 $0x0  }
0xb1: {  	[sflag:s0] =	ssyncadd.s32 @!p0 s1  }
0xb2: {  	[bflag:$0x3] =	sbarrier.arrive $0xFFFF  }
0xb3: {  	_ =	shalt  }

</sc_bundles>
